<compile_context>
chip_gen: v7x
topology: tpu7x:2x2x1
jax: 0.10.2.dev20260603
libtpu: 0.0.44.dev20260713+nightly
codegen_flags: <defaults>
</compile_context>

<pallas_src>
import functools

import jax
import jax.numpy as jnp
from jax import lax
from jax.experimental import pallas as pl
from jax.experimental.pallas import tpu as pltpu
from jax.experimental.pallas import tpu_sc as plsc

Nv_ = 100000
Nh_ = 16
BATCH_ = 4096
XMIN_ = -10.0
XMAX_ = 10.0
DX_ = (XMAX_ - XMIN_) / (Nv_ - 1)

_NC = 2
_NS = 16
_NW = _NC * _NS
_BPW = BATCH_ // _NW
_L = 16


def _rbm_body(x_hbm, b_hbm, c_hbm, wt_hbm, out_hbm,
              x_v, idx2_v, t_v, b_v, c_v, ch_v, out_v, sem_w, sem_b):
    wid = lax.axis_index("s") * _NC + lax.axis_index("c")
    base = wid * _BPW

    pltpu.sync_copy(x_hbm.at[pl.ds(base, _BPW)], x_v)
    pltpu.sync_copy(c_hbm, c_v)

    def idx_body(k, carry):
        off = pl.multiple_of(k * _L, _L)
        xv = x_v[pl.ds(off, _L)]
        ii = ((xv - XMIN_) / DX_).astype(jnp.int32)
        ii = jnp.minimum(jnp.maximum(ii, 0), Nv_ - 1)
        for h in range(Nh_):
            idx2_v[h, pl.ds(off, _L)] = ii + h * Nv_
        return carry

    lax.fori_loop(0, _BPW // _L, idx_body, 0, unroll=False)

    cp_b = pltpu.async_copy(b_hbm.at[idx2_v.at[0]], b_v, sem_b)
    cps = [pltpu.async_copy(wt_hbm.at[idx2_v.at[h]], t_v.at[h], sem_w)
           for h in range(Nh_)]

    lane16 = lax.iota(jnp.int32, _L) * _L
    cv = c_v[...]
    for j in range(_L):
        plsc.store_scatter(ch_v, [lane16 + j], cv)

    cp_b.wait()
    for cp in cps:
        cp.wait()

    chs = [ch_v[pl.ds(h * _L, _L)] for h in range(Nh_)]

    def chunk_body(k, carry):
        off = pl.multiple_of(k * _L, _L)
        acc = jnp.exp(b_v[pl.ds(off, _L)])
        for h in range(Nh_):
            acc = acc * (1.0 + jnp.exp(chs[h] + t_v[h, pl.ds(off, _L)]))
        out_v[pl.ds(off, _L)] = acc
        return carry

    lax.fori_loop(0, _BPW // _L, chunk_body, 0, unroll=False)

    pltpu.sync_copy(out_v, out_hbm.at[pl.ds(base, _BPW)])


_SCRATCH = [
    pltpu.VMEM((_BPW,), jnp.float32),
    pltpu.VMEM((Nh_, _BPW), jnp.int32),
    pltpu.VMEM((Nh_, _BPW), jnp.float32),
    pltpu.VMEM((_BPW,), jnp.float32),
    pltpu.VMEM((Nh_,), jnp.float32),
    pltpu.VMEM((Nh_ * _L,), jnp.float32),
    pltpu.VMEM((_BPW,), jnp.float32),
    pltpu.SemaphoreType.DMA,
    pltpu.SemaphoreType.DMA,
]


def _prep(x, b, c, w):
    return x, b, c, w.T.reshape(-1)


_rbm_sc = functools.partial(
    pl.kernel,
    out_type=jax.ShapeDtypeStruct((BATCH_,), jnp.float32),
    mesh=plsc.VectorSubcoreMesh(core_axis_name="c", subcore_axis_name="s"),
    compiler_params=pltpu.CompilerParams(needs_layout_passes=False,
                                         use_tc_tiling_on_sc=False),
    scratch_types=_SCRATCH,
)(_rbm_body)


def kernel(x, b, c, w):
    return _rbm_sc(*_prep(x, b, c, w))

# --- scband reference (transcript-rebuilt; emitter-appended) ---
"""Pipeline reference for scband-wave-function-rbm-ohe-69226282877342 (READ-ONLY COPY).

The authoritative reference and input builder live on the scoring server;
editing this copy changes nothing except your own understanding.
"""

import jax, jax.numpy as jnp
import numpy as np

Nv = 100000
Nh = 16
BATCH = 4096
XMIN = -10.0
XMAX = 10.0
DX = (XMAX - XMIN) / (Nv - 1)


def setup_inputs(seed: int = 0) -> dict:
    key = jax.random.key(seed)
    kx, kb, kc, kw = jax.random.split(key, 4)
    x = jax.random.normal(kx, (BATCH,), dtype=jnp.float32)
    b = jax.random.normal(kb, (Nv,), dtype=jnp.float32)
    c = jax.random.normal(kc, (Nh,), dtype=jnp.float32)
    w = jax.random.normal(kw, (Nv, Nh), dtype=jnp.float32)
    return {"x": x, "b": b, "c": c, "w": w}


def reference(x, b, c, w):
    # indices = clamp(long((x - xmin)/dx), 0, Nv-1); torch .long() truncates toward 0,
    # and (x - XMIN)/DX is nonnegative for the generated inputs, so astype matches.
    indices = jnp.clip(((x - XMIN) / DX).astype(jnp.int32), 0, Nv - 1)
    # v is an exact one-hot row-selector, so v @ w == w[indices] and v @ b == b[indices]
    # (mathematically identical to scatter_-built one-hot followed by dense matmul).
    exponent = c[None, :] + jnp.take(w, indices, axis=0)  # [B, Nh]
    prod = jnp.prod(1.0 + jnp.exp(exponent), axis=1)      # [B]
    output = jnp.exp(jnp.take(b, indices, axis=0)) * prod  # [B]
    return output

if __name__ == "__main__":
    import jax
    _d = setup_inputs()
    print(jax.jit(kernel)(*tuple(_d.values())))

</pallas_src>

<mosaic_0001>
#map = affine_map<(d0, d1) -> (0)>
module attributes {stable_mosaic.version = 14 : i64} {
  func.func @_rbm_body(%arg0: i32, %arg1: i32, %arg2: memref<4096xf32, #tpu.memory_space<hbm>>, %arg3: memref<100000xf32, #tpu.memory_space<hbm>>, %arg4: memref<16xf32, #tpu.memory_space<hbm>>, %arg5: memref<1600000xf32, #tpu.memory_space<hbm>>, %arg6: memref<4096xf32, #tpu.memory_space<hbm>>, %arg7: memref<128xf32, #tpu.memory_space<vmem>>, %arg8: memref<16x128xi32, #tpu.memory_space<vmem>>, %arg9: memref<16x128xf32, #tpu.memory_space<vmem>>, %arg10: memref<128xf32, #tpu.memory_space<vmem>>, %arg11: memref<16xf32, #tpu.memory_space<vmem>>, %arg12: memref<256xf32, #tpu.memory_space<vmem>>, %arg13: memref<128xf32, #tpu.memory_space<vmem>>, %arg14: memref<!tpu.dma_semaphore, #tpu.memory_space<semaphore_mem>>, %arg15: memref<!tpu.dma_semaphore, #tpu.memory_space<semaphore_mem>>) attributes {dimension_semantics = [#tpu.dimension_semantics<core_parallel>, #tpu.dimension_semantics<subcore_parallel>], iteration_bounds = array<i64: 2, 16>, scalar_prefetch = 0 : i64, scratch_operands = 9 : i64, tpu.core_type = #tpu.core_type<sc_vector_subcore>, window_params = [{transform_indices = #map}, {transform_indices = #map}, {transform_indices = #map}, {transform_indices = #map}, {transform_indices = #map}]} {
    %mul3A = arith.constant 2 : i32
    %mul3A_0 = arith.muli %arg1, %mul3A : i32
    %add3A = arith.addi %mul3A_0, %arg0 : i32
    %mul3A_1 = arith.constant 128 : i32
    %mul3A_2 = arith.muli %add3A, %mul3A_1 : i32
    "tpu.region"() ({
      %run_scoped3A = tpu.sem_alloc : memref<!tpu.dma_semaphore, #tpu.memory_space<semaphore_mem>>
      %dma_start3A_428 = tpu.memref_slice %arg2[%mul3A_2] : memref<4096xf32, #tpu.memory_space<hbm>> -> memref<128xf32, #tpu.memory_space<hbm>>
      %dma_start3A_429 = tpu.memref_slice %arg2[%mul3A_2] : memref<4096xf32, #tpu.memory_space<hbm>> -> memref<128xf32, #tpu.memory_space<hbm>>
      tpu.enqueue_dma source(%dma_start3A_429 : memref<128xf32, #tpu.memory_space<hbm>>) target(%arg7 : memref<128xf32, #tpu.memory_space<vmem>>) target_semaphore(%run_scoped3A : memref<!tpu.dma_semaphore, #tpu.memory_space<semaphore_mem>>)
      %dma_wait3A_430 = tpu.memref_slice %arg2[%mul3A_2] : memref<4096xf32, #tpu.memory_space<hbm>> -> memref<128xf32, #tpu.memory_space<hbm>>
      %dma_wait3A_431 = tpu.memref_slice %arg2[%mul3A_2] : memref<4096xf32, #tpu.memory_space<hbm>> -> memref<128xf32, #tpu.memory_space<hbm>>
      tpu.wait_dma2 semaphore(%run_scoped3A : memref<!tpu.dma_semaphore, #tpu.memory_space<semaphore_mem>>) src(%dma_wait3A_431 : memref<128xf32, #tpu.memory_space<hbm>>) dst(%arg7 : memref<128xf32, #tpu.memory_space<vmem>>)
      tpu.yield
    }) : () -> ()
    "tpu.region"() ({
      %run_scoped3A = tpu.sem_alloc : memref<!tpu.dma_semaphore, #tpu.memory_space<semaphore_mem>>
      tpu.enqueue_dma source(%arg4 : memref<16xf32, #tpu.memory_space<hbm>>) target(%arg11 : memref<16xf32, #tpu.memory_space<vmem>>) target_semaphore(%run_scoped3A : memref<!tpu.dma_semaphore, #tpu.memory_space<semaphore_mem>>)
      tpu.wait_dma2 semaphore(%run_scoped3A : memref<!tpu.dma_semaphore, #tpu.memory_space<semaphore_mem>>) src(%arg4 : memref<16xf32, #tpu.memory_space<hbm>>) dst(%arg11 : memref<16xf32, #tpu.memory_space<vmem>>)
      tpu.yield
    }) : () -> ()
    %scan3A = arith.constant 0 : i32
    %scan3A_3 = arith.constant 0 : i32
    %scan3A_4 = arith.constant 8 : i32
    %scan3A_5 = arith.addi %scan3A_3, %scan3A_4 : i32
    %scan3A_6 = arith.constant 1 : i32
    scf.for %scan3A_428 = %scan3A_3 to %scan3A_5 step %scan3A_6  : i32 {
      %mul3A_429 = arith.constant 16 : i32
      %mul3A_430 = arith.muli %scan3A_428, %mul3A_429 : i32
      %multiple_of3A = tpu.assume_multiple %mul3A_430, 16 : i32
      %get3A_431 = arith.index_cast %multiple_of3A : i32 to index
      %get3A_432 = tpu.vector_load %arg7[%get3A_431] {strides = array<i32>} : memref<128xf32, #tpu.memory_space<vmem>>, vector<16xf32>,
      %sub3A = arith.constant -1.000000e+01 : f32
      %sub3A_433 = vector.broadcast %sub3A : f32 to vector<16xf32>
      %sub3A_434 = arith.subf %get3A_432, %sub3A_433 : vector<16xf32>
      %div3A = arith.constant 2.000020e-04 : f32
      %div3A_435 = vector.broadcast %div3A : f32 to vector<16xf32>
      %div3A_436 = arith.divf %sub3A_434, %div3A_435 : vector<16xf32>
      %convert_element_type3A = arith.fptosi %div3A_436 : vector<16xf32> to vector<16xi32>
      %max3A = arith.constant 0 : i32
      %max3A_437 = vector.broadcast %max3A : i32 to vector<16xi32>
      %max3A_438 = arith.maxsi %convert_element_type3A, %max3A_437 : vector<16xi32>
      %min3A = arith.constant 99999 : i32
      %min3A_439 = vector.broadcast %min3A : i32 to vector<16xi32>
      %min3A_440 = arith.minsi %max3A_438, %min3A_439 : vector<16xi32>
      %add3A_441 = arith.constant 0 : i32
      %add3A_442 = vector.broadcast %add3A_441 : i32 to vector<16xi32>
      %add3A_443 = arith.addi %min3A_440, %add3A_442 : vector<16xi32>
      %swap3A = arith.constant 0 : i32
      %swap3A_444 = arith.index_cast %swap3A : i32 to index
      %swap3A_445 = arith.index_cast %multiple_of3A : i32 to index
      %swap3A_446 = tpu.vector_load %arg8[%swap3A_444, %swap3A_445] {strides = array<i32>} : memref<16x128xi32, #tpu.memory_space<vmem>>, vector<16xi32>,
      tpu.vector_store %arg8[%swap3A_444, %swap3A_445], %add3A_443 {strides = array<i32>} : memref<16x128xi32, #tpu.memory_space<vmem>>, vector<16xi32>,
      %add3A_447 = arith.constant 100000 : i32
      %add3A_448 = vector.broadcast %add3A_447 : i32 to vector<16xi32>
      %add3A_449 = arith.addi %min3A_440, %add3A_448 : vector<16xi32>
      %swap3A_450 = arith.constant 1 : i32
      %swap3A_451 = arith.index_cast %swap3A_450 : i32 to index
      %swap3A_452 = arith.index_cast %multiple_of3A : i32 to index
      %swap3A_453 = tpu.vector_load %arg8[%swap3A_451, %swap3A_452] {strides = array<i32>} : memref<16x128xi32, #tpu.memory_space<vmem>>, vector<16xi32>,
      tpu.vector_store %arg8[%swap3A_451, %swap3A_452], %add3A_449 {strides = array<i32>} : memref<16x128xi32, #tpu.memory_space<vmem>>, vector<16xi32>,
      %add3A_454 = arith.constant 200000 : i32
      %add3A_455 = vector.broadcast %add3A_454 : i32 to vector<16xi32>
      %add3A_456 = arith.addi %min3A_440, %add3A_455 : vector<16xi32>
      %swap3A_457 = arith.constant 2 : i32
      %swap3A_458 = arith.index_cast %swap3A_457 : i32 to index
      %swap3A_459 = arith.index_cast %multiple_of3A : i32 to index
      %swap3A_460 = tpu.vector_load %arg8[%swap3A_458, %swap3A_459] {strides = array<i32>} : memref<16x128xi32, #tpu.memory_space<vmem>>, vector<16xi32>,
      tpu.vector_store %arg8[%swap3A_458, %swap3A_459], %add3A_456 {strides = array<i32>} : memref<16x128xi32, #tpu.memory_space<vmem>>, vector<16xi32>,
      %add3A_461 = arith.constant 300000 : i32
      %add3A_462 = vector.broadcast %add3A_461 : i32 to vector<16xi32>
      %add3A_463 = arith.addi %min3A_440, %add3A_462 : vector<16xi32>
      %swap3A_464 = arith.constant 3 : i32
      %swap3A_465 = arith.index_cast %swap3A_464 : i32 to index
      %swap3A_466 = arith.index_cast %multiple_of3A : i32 to index
      %swap3A_467 = tpu.vector_load %arg8[%swap3A_465, %swap3A_466] {strides = array<i32>} : memref<16x128xi32, #tpu.memory_space<vmem>>, vector<16xi32>,
      tpu.vector_store %arg8[%swap3A_465, %swap3A_466], %add3A_463 {strides = array<i32>} : memref<16x128xi32, #tpu.memory_space<vmem>>, vector<16xi32>,
      %add3A_468 = arith.constant 400000 : i32
      %add3A_469 = vector.broadcast %add3A_468 : i32 to vector<16xi32>
      %add3A_470 = arith.addi %min3A_440, %add3A_469 : vector<16xi32>
      %swap3A_471 = arith.constant 4 : i32
      %swap3A_472 = arith.index_cast %swap3A_471 : i32 to index
      %swap3A_473 = arith.index_cast %multiple_of3A : i32 to index
      %swap3A_474 = tpu.vector_load %arg8[%swap3A_472, %swap3A_473] {strides = array<i32>} : memref<16x128xi32, #tpu.memory_space<vmem>>, vector<16xi32>,
      tpu.vector_store %arg8[%swap3A_472, %swap3A_473], %add3A_470 {strides = array<i32>} : memref<16x128xi32, #tpu.memory_space<vmem>>, vector<16xi32>,
      %add3A_475 = arith.constant 500000 : i32
      %add3A_476 = vector.broadcast %add3A_475 : i32 to vector<16xi32>
      %add3A_477 = arith.addi %min3A_440, %add3A_476 : vector<16xi32>
      %swap3A_478 = arith.constant 5 : i32
      %swap3A_479 = arith.index_cast %swap3A_478 : i32 to index
      %swap3A_480 = arith.index_cast %multiple_of3A : i32 to index
      %swap3A_481 = tpu.vector_load %arg8[%swap3A_479, %swap3A_480] {strides = array<i32>} : memref<16x128xi32, #tpu.memory_space<vmem>>, vector<16xi32>,
      tpu.vector_store %arg8[%swap3A_479, %swap3A_480], %add3A_477 {strides = array<i32>} : memref<16x128xi32, #tpu.memory_space<vmem>>, vector<16xi32>,
      %add3A_482 = arith.constant 600000 : i32
      %add3A_483 = vector.broadcast %add3A_482 : i32 to vector<16xi32>
      %add3A_484 = arith.addi %min3A_440, %add3A_483 : vector<16xi32>
      %swap3A_485 = arith.constant 6 : i32
      %swap3A_486 = arith.index_cast %swap3A_485 : i32 to index
      %swap3A_487 = arith.index_cast %multiple_of3A : i32 to index
      %swap3A_488 = tpu.vector_load %arg8[%swap3A_486, %swap3A_487] {strides = array<i32>} : memref<16x128xi32, #tpu.memory_space<vmem>>, vector<16xi32>,
      tpu.vector_store %arg8[%swap3A_486, %swap3A_487], %add3A_484 {strides = array<i32>} : memref<16x128xi32, #tpu.memory_space<vmem>>, vector<16xi32>,
      %add3A_489 = arith.constant 700000 : i32
      %add3A_490 = vector.broadcast %add3A_489 : i32 to vector<16xi32>
      %add3A_491 = arith.addi %min3A_440, %add3A_490 : vector<16xi32>
      %swap3A_492 = arith.constant 7 : i32
      %swap3A_493 = arith.index_cast %swap3A_492 : i32 to index
      %swap3A_494 = arith.index_cast %multiple_of3A : i32 to index
      %swap3A_495 = tpu.vector_load %arg8[%swap3A_493, %swap3A_494] {strides = array<i32>} : memref<16x128xi32, #tpu.memory_space<vmem>>, vector<16xi32>,
      tpu.vector_store %arg8[%swap3A_493, %swap3A_494], %add3A_491 {strides = array<i32>} : memref<16x128xi32, #tpu.memory_space<vmem>>, vector<16xi32>,
      %add3A_496 = arith.constant 800000 : i32
      %add3A_497 = vector.broadcast %add3A_496 : i32 to vector<16xi32>
      %add3A_498 = arith.addi %min3A_440, %add3A_497 : vector<16xi32>
      %swap3A_499 = arith.constant 8 : i32
      %swap3A_500 = arith.index_cast %swap3A_499 : i32 to index
      %swap3A_501 = arith.index_cast %multiple_of3A : i32 to index
      %swap3A_502 = tpu.vector_load %arg8[%swap3A_500, %swap3A_501] {strides = array<i32>} : memref<16x128xi32, #tpu.memory_space<vmem>>, vector<16xi32>,
      tpu.vector_store %arg8[%swap3A_500, %swap3A_501], %add3A_498 {strides = array<i32>} : memref<16x128xi32, #tpu.memory_space<vmem>>, vector<16xi32>,
      %add3A_503 = arith.constant 900000 : i32
      %add3A_504 = vector.broadcast %add3A_503 : i32 to vector<16xi32>
      %add3A_505 = arith.addi %min3A_440, %add3A_504 : vector<16xi32>
      %swap3A_506 = arith.constant 9 : i32
      %swap3A_507 = arith.index_cast %swap3A_506 : i32 to index
      %swap3A_508 = arith.index_cast %multiple_of3A : i32 to index
      %swap3A_509 = tpu.vector_load %arg8[%swap3A_507, %swap3A_508] {strides = array<i32>} : memref<16x128xi32, #tpu.memory_space<vmem>>, vector<16xi32>,
      tpu.vector_store %arg8[%swap3A_507, %swap3A_508], %add3A_505 {strides = array<i32>} : memref<16x128xi32, #tpu.memory_space<vmem>>, vector<16xi32>,
      %add3A_510 = arith.constant 1000000 : i32
      %add3A_511 = vector.broadcast %add3A_510 : i32 to vector<16xi32>
      %add3A_512 = arith.addi %min3A_440, %add3A_511 : vector<16xi32>
      %swap3A_513 = arith.constant 10 : i32
      %swap3A_514 = arith.index_cast %swap3A_513 : i32 to index
      %swap3A_515 = arith.index_cast %multiple_of3A : i32 to index
      %swap3A_516 = tpu.vector_load %arg8[%swap3A_514, %swap3A_515] {strides = array<i32>} : memref<16x128xi32, #tpu.memory_space<vmem>>, vector<16xi32>,
      tpu.vector_store %arg8[%swap3A_514, %swap3A_515], %add3A_512 {strides = array<i32>} : memref<16x128xi32, #tpu.memory_space<vmem>>, vector<16xi32>,
      %add3A_517 = arith.constant 1100000 : i32
      %add3A_518 = vector.broadcast %add3A_517 : i32 to vector<16xi32>
      %add3A_519 = arith.addi %min3A_440, %add3A_518 : vector<16xi32>
      %swap3A_520 = arith.constant 11 : i32
      %swap3A_521 = arith.index_cast %swap3A_520 : i32 to index
      %swap3A_522 = arith.index_cast %multiple_of3A : i32 to index
      %swap3A_523 = tpu.vector_load %arg8[%swap3A_521, %swap3A_522] {strides = array<i32>} : memref<16x128xi32, #tpu.memory_space<vmem>>, vector<16xi32>,
      tpu.vector_store %arg8[%swap3A_521, %swap3A_522], %add3A_519 {strides = array<i32>} : memref<16x128xi32, #tpu.memory_space<vmem>>, vector<16xi32>,
      %add3A_524 = arith.constant 1200000 : i32
      %add3A_525 = vector.broadcast %add3A_524 : i32 to vector<16xi32>
      %add3A_526 = arith.addi %min3A_440, %add3A_525 : vector<16xi32>
      %swap3A_527 = arith.constant 12 : i32
      %swap3A_528 = arith.index_cast %swap3A_527 : i32 to index
      %swap3A_529 = arith.index_cast %multiple_of3A : i32 to index
      %swap3A_530 = tpu.vector_load %arg8[%swap3A_528, %swap3A_529] {strides = array<i32>} : memref<16x128xi32, #tpu.memory_space<vmem>>, vector<16xi32>,
      tpu.vector_store %arg8[%swap3A_528, %swap3A_529], %add3A_526 {strides = array<i32>} : memref<16x128xi32, #tpu.memory_space<vmem>>, vector<16xi32>,
      %add3A_531 = arith.constant 1300000 : i32
      %add3A_532 = vector.broadcast %add3A_531 : i32 to vector<16xi32>
      %add3A_533 = arith.addi %min3A_440, %add3A_532 : vector<16xi32>
      %swap3A_534 = arith.constant 13 : i32
      %swap3A_535 = arith.index_cast %swap3A_534 : i32 to index
      %swap3A_536 = arith.index_cast %multiple_of3A : i32 to index
      %swap3A_537 = tpu.vector_load %arg8[%swap3A_535, %swap3A_536] {strides = array<i32>} : memref<16x128xi32, #tpu.memory_space<vmem>>, vector<16xi32>,
      tpu.vector_store %arg8[%swap3A_535, %swap3A_536], %add3A_533 {strides = array<i32>} : memref<16x128xi32, #tpu.memory_space<vmem>>, vector<16xi32>,
      %add3A_538 = arith.constant 1400000 : i32
      %add3A_539 = vector.broadcast %add3A_538 : i32 to vector<16xi32>
      %add3A_540 = arith.addi %min3A_440, %add3A_539 : vector<16xi32>
      %swap3A_541 = arith.constant 14 : i32
      %swap3A_542 = arith.index_cast %swap3A_541 : i32 to index
      %swap3A_543 = arith.index_cast %multiple_of3A : i32 to index
      %swap3A_544 = tpu.vector_load %arg8[%swap3A_542, %swap3A_543] {strides = array<i32>} : memref<16x128xi32, #tpu.memory_space<vmem>>, vector<16xi32>,
      tpu.vector_store %arg8[%swap3A_542, %swap3A_543], %add3A_540 {strides = array<i32>} : memref<16x128xi32, #tpu.memory_space<vmem>>, vector<16xi32>,
      %add3A_545 = arith.constant 1500000 : i32
      %add3A_546 = vector.broadcast %add3A_545 : i32 to vector<16xi32>
      %add3A_547 = arith.addi %min3A_440, %add3A_546 : vector<16xi32>
      %swap3A_548 = arith.constant 15 : i32
      %swap3A_549 = arith.index_cast %swap3A_548 : i32 to index
      %swap3A_550 = arith.index_cast %multiple_of3A : i32 to index
      %swap3A_551 = tpu.vector_load %arg8[%swap3A_549, %swap3A_550] {strides = array<i32>} : memref<16x128xi32, #tpu.memory_space<vmem>>, vector<16xi32>,
      tpu.vector_store %arg8[%swap3A_549, %swap3A_550], %add3A_547 {strides = array<i32>} : memref<16x128xi32, #tpu.memory_space<vmem>>, vector<16xi32>,
    }
    %scan3A_7 = arith.constant 8 : i32
    %dma_start3A = arith.constant 0 : i32
    %dma_start3A_8 = arith.constant 0 : i32
    %dma_start3A_9 = tpu.memref_slice %arg8[%dma_start3A, %dma_start3A_8] : memref<16x128xi32, #tpu.memory_space<vmem>> -> memref<1x128xi32, #tpu.memory_space<vmem>>
    %dma_start3A_10 = tpu.memref_squeeze %dma_start3A_9 : memref<1x128xi32, #tpu.memory_space<vmem>> -> memref<128xi32, #tpu.memory_space<vmem>>
    %dma_start3A_11 = arith.constant 0 : i32
    %dma_start3A_12 = tpu.memref_slice %arg3[%dma_start3A_11] : memref<100000xf32, #tpu.memory_space<hbm>> -> memref<100000xf32, #tpu.memory_space<hbm>>
    tpu.enqueue_indirect_dma source(%dma_start3A_12 : memref<100000xf32, #tpu.memory_space<hbm>>) target(%arg10 : memref<128xf32, #tpu.memory_space<vmem>>) offsets(%dma_start3A_10 : memref<128xi32, #tpu.memory_space<vmem>>) semaphore(%arg15 : memref<!tpu.dma_semaphore, #tpu.memory_space<semaphore_mem>>)
    %dma_start3A_13 = arith.constant 0 : i32
    %dma_start3A_14 = arith.constant 0 : i32
    %dma_start3A_15 = arith.constant 0 : i32
    %dma_start3A_16 = tpu.memref_slice %arg9[%dma_start3A_14, %dma_start3A_15] : memref<16x128xf32, #tpu.memory_space<vmem>> -> memref<1x128xf32, #tpu.memory_space<vmem>>
    %dma_start3A_17 = tpu.memref_squeeze %dma_start3A_16 : memref<1x128xf32, #tpu.memory_space<vmem>> -> memref<128xf32, #tpu.memory_space<vmem>>
    %dma_start3A_18 = arith.constant 0 : i32
    %dma_start3A_19 = tpu.memref_slice %arg8[%dma_start3A_13, %dma_start3A_18] : memref<16x128xi32, #tpu.memory_space<vmem>> -> memref<1x128xi32, #tpu.memory_space<vmem>>
    %dma_start3A_20 = tpu.memref_squeeze %dma_start3A_19 : memref<1x128xi32, #tpu.memory_space<vmem>> -> memref<128xi32, #tpu.memory_space<vmem>>
    %dma_start3A_21 = arith.constant 0 : i32
    %dma_start3A_22 = tpu.memref_slice %arg5[%dma_start3A_21] : memref<1600000xf32, #tpu.memory_space<hbm>> -> memref<1600000xf32, #tpu.memory_space<hbm>>
    tpu.enqueue_indirect_dma source(%dma_start3A_22 : memref<1600000xf32, #tpu.memory_space<hbm>>) target(%dma_start3A_17 : memref<128xf32, #tpu.memory_space<vmem>>) offsets(%dma_start3A_20 : memref<128xi32, #tpu.memory_space<vmem>>) semaphore(%arg14 : memref<!tpu.dma_semaphore, #tpu.memory_space<semaphore_mem>>)
    %dma_start3A_23 = arith.constant 1 : i32
    %dma_start3A_24 = arith.constant 1 : i32
    %dma_start3A_25 = arith.constant 0 : i32
    %dma_start3A_26 = tpu.memref_slice %arg9[%dma_start3A_24, %dma_start3A_25] : memref<16x128xf32, #tpu.memory_space<vmem>> -> memref<1x128xf32, #tpu.memory_space<vmem>>
    %dma_start3A_27 = tpu.memref_squeeze %dma_start3A_26 : memref<1x128xf32, #tpu.memory_space<vmem>> -> memref<128xf32, #tpu.memory_space<vmem>>
    %dma_start3A_28 = arith.constant 0 : i32
    %dma_start3A_29 = tpu.memref_slice %arg8[%dma_start3A_23, %dma_start3A_28] : memref<16x128xi32, #tpu.memory_space<vmem>> -> memref<1x128xi32, #tpu.memory_space<vmem>>
    %dma_start3A_30 = tpu.memref_squeeze %dma_start3A_29 : memref<1x128xi32, #tpu.memory_space<vmem>> -> memref<128xi32, #tpu.memory_space<vmem>>
    %dma_start3A_31 = arith.constant 0 : i32
    %dma_start3A_32 = tpu.memref_slice %arg5[%dma_start3A_31] : memref<1600000xf32, #tpu.memory_space<hbm>> -> memref<1600000xf32, #tpu.memory_space<hbm>>
    tpu.enqueue_indirect_dma source(%dma_start3A_32 : memref<1600000xf32, #tpu.memory_space<hbm>>) target(%dma_start3A_27 : memref<128xf32, #tpu.memory_space<vmem>>) offsets(%dma_start3A_30 : memref<128xi32, #tpu.memory_space<vmem>>) semaphore(%arg14 : memref<!tpu.dma_semaphore, #tpu.memory_space<semaphore_mem>>)
    %dma_start3A_33 = arith.constant 2 : i32
    %dma_start3A_34 = arith.constant 2 : i32
    %dma_start3A_35 = arith.constant 0 : i32
    %dma_start3A_36 = tpu.memref_slice %arg9[%dma_start3A_34, %dma_start3A_35] : memref<16x128xf32, #tpu.memory_space<vmem>> -> memref<1x128xf32, #tpu.memory_space<vmem>>
    %dma_start3A_37 = tpu.memref_squeeze %dma_start3A_36 : memref<1x128xf32, #tpu.memory_space<vmem>> -> memref<128xf32, #tpu.memory_space<vmem>>
    %dma_start3A_38 = arith.constant 0 : i32
    %dma_start3A_39 = tpu.memref_slice %arg8[%dma_start3A_33, %dma_start3A_38] : memref<16x128xi32, #tpu.memory_space<vmem>> -> memref<1x128xi32, #tpu.memory_space<vmem>>
    %dma_start3A_40 = tpu.memref_squeeze %dma_start3A_39 : memref<1x128xi32, #tpu.memory_space<vmem>> -> memref<128xi32, #tpu.memory_space<vmem>>
    %dma_start3A_41 = arith.constant 0 : i32
    %dma_start3A_42 = tpu.memref_slice %arg5[%dma_start3A_41] : memref<1600000xf32, #tpu.memory_space<hbm>> -> memref<1600000xf32, #tpu.memory_space<hbm>>
    tpu.enqueue_indirect_dma source(%dma_start3A_42 : memref<1600000xf32, #tpu.memory_space<hbm>>) target(%dma_start3A_37 : memref<128xf32, #tpu.memory_space<vmem>>) offsets(%dma_start3A_40 : memref<128xi32, #tpu.memory_space<vmem>>) semaphore(%arg14 : memref<!tpu.dma_semaphore, #tpu.memory_space<semaphore_mem>>)
    %dma_start3A_43 = arith.constant 3 : i32
    %dma_start3A_44 = arith.constant 3 : i32
    %dma_start3A_45 = arith.constant 0 : i32
    %dma_start3A_46 = tpu.memref_slice %arg9[%dma_start3A_44, %dma_start3A_45] : memref<16x128xf32, #tpu.memory_space<vmem>> -> memref<1x128xf32, #tpu.memory_space<vmem>>
    %dma_start3A_47 = tpu.memref_squeeze %dma_start3A_46 : memref<1x128xf32, #tpu.memory_space<vmem>> -> memref<128xf32, #tpu.memory_space<vmem>>
    %dma_start3A_48 = arith.constant 0 : i32
    %dma_start3A_49 = tpu.memref_slice %arg8[%dma_start3A_43, %dma_start3A_48] : memref<16x128xi32, #tpu.memory_space<vmem>> -> memref<1x128xi32, #tpu.memory_space<vmem>>
    %dma_start3A_50 = tpu.memref_squeeze %dma_start3A_49 : memref<1x128xi32, #tpu.memory_space<vmem>> -> memref<128xi32, #tpu.memory_space<vmem>>
    %dma_start3A_51 = arith.constant 0 : i32
    %dma_start3A_52 = tpu.memref_slice %arg5[%dma_start3A_51] : memref<1600000xf32, #tpu.memory_space<hbm>> -> memref<1600000xf32, #tpu.memory_space<hbm>>
    tpu.enqueue_indirect_dma source(%dma_start3A_52 : memref<1600000xf32, #tpu.memory_space<hbm>>) target(%dma_start3A_47 : memref<128xf32, #tpu.memory_space<vmem>>) offsets(%dma_start3A_50 : memref<128xi32, #tpu.memory_space<vmem>>) semaphore(%arg14 : memref<!tpu.dma_semaphore, #tpu.memory_space<semaphore_mem>>)
    %dma_start3A_53 = arith.constant 4 : i32
    %dma_start3A_54 = arith.constant 4 : i32
    %dma_start3A_55 = arith.constant 0 : i32
    %dma_start3A_56 = tpu.memref_slice %arg9[%dma_start3A_54, %dma_start3A_55] : memref<16x128xf32, #tpu.memory_space<vmem>> -> memref<1x128xf32, #tpu.memory_space<vmem>>
    %dma_start3A_57 = tpu.memref_squeeze %dma_start3A_56 : memref<1x128xf32, #tpu.memory_space<vmem>> -> memref<128xf32, #tpu.memory_space<vmem>>
    %dma_start3A_58 = arith.constant 0 : i32
    %dma_start3A_59 = tpu.memref_slice %arg8[%dma_start3A_53, %dma_start3A_58] : memref<16x128xi32, #tpu.memory_space<vmem>> -> memref<1x128xi32, #tpu.memory_space<vmem>>
    %dma_start3A_60 = tpu.memref_squeeze %dma_start3A_59 : memref<1x128xi32, #tpu.memory_space<vmem>> -> memref<128xi32, #tpu.memory_space<vmem>>
    %dma_start3A_61 = arith.constant 0 : i32
    %dma_start3A_62 = tpu.memref_slice %arg5[%dma_start3A_61] : memref<1600000xf32, #tpu.memory_space<hbm>> -> memref<1600000xf32, #tpu.memory_space<hbm>>
    tpu.enqueue_indirect_dma source(%dma_start3A_62 : memref<1600000xf32, #tpu.memory_space<hbm>>) target(%dma_start3A_57 : memref<128xf32, #tpu.memory_space<vmem>>) offsets(%dma_start3A_60 : memref<128xi32, #tpu.memory_space<vmem>>) semaphore(%arg14 : memref<!tpu.dma_semaphore, #tpu.memory_space<semaphore_mem>>)
    %dma_start3A_63 = arith.constant 5 : i32
    %dma_start3A_64 = arith.constant 5 : i32
    %dma_start3A_65 = arith.constant 0 : i32
    %dma_start3A_66 = tpu.memref_slice %arg9[%dma_start3A_64, %dma_start3A_65] : memref<16x128xf32, #tpu.memory_space<vmem>> -> memref<1x128xf32, #tpu.memory_space<vmem>>
    %dma_start3A_67 = tpu.memref_squeeze %dma_start3A_66 : memref<1x128xf32, #tpu.memory_space<vmem>> -> memref<128xf32, #tpu.memory_space<vmem>>
    %dma_start3A_68 = arith.constant 0 : i32
    %dma_start3A_69 = tpu.memref_slice %arg8[%dma_start3A_63, %dma_start3A_68] : memref<16x128xi32, #tpu.memory_space<vmem>> -> memref<1x128xi32, #tpu.memory_space<vmem>>
    %dma_start3A_70 = tpu.memref_squeeze %dma_start3A_69 : memref<1x128xi32, #tpu.memory_space<vmem>> -> memref<128xi32, #tpu.memory_space<vmem>>
    %dma_start3A_71 = arith.constant 0 : i32
    %dma_start3A_72 = tpu.memref_slice %arg5[%dma_start3A_71] : memref<1600000xf32, #tpu.memory_space<hbm>> -> memref<1600000xf32, #tpu.memory_space<hbm>>
    tpu.enqueue_indirect_dma source(%dma_start3A_72 : memref<1600000xf32, #tpu.memory_space<hbm>>) target(%dma_start3A_67 : memref<128xf32, #tpu.memory_space<vmem>>) offsets(%dma_start3A_70 : memref<128xi32, #tpu.memory_space<vmem>>) semaphore(%arg14 : memref<!tpu.dma_semaphore, #tpu.memory_space<semaphore_mem>>)
    %dma_start3A_73 = arith.constant 6 : i32
    %dma_start3A_74 = arith.constant 6 : i32
    %dma_start3A_75 = arith.constant 0 : i32
    %dma_start3A_76 = tpu.memref_slice %arg9[%dma_start3A_74, %dma_start3A_75] : memref<16x128xf32, #tpu.memory_space<vmem>> -> memref<1x128xf32, #tpu.memory_space<vmem>>
    %dma_start3A_77 = tpu.memref_squeeze %dma_start3A_76 : memref<1x128xf32, #tpu.memory_space<vmem>> -> memref<128xf32, #tpu.memory_space<vmem>>
    %dma_start3A_78 = arith.constant 0 : i32
    %dma_start3A_79 = tpu.memref_slice %arg8[%dma_start3A_73, %dma_start3A_78] : memref<16x128xi32, #tpu.memory_space<vmem>> -> memref<1x128xi32, #tpu.memory_space<vmem>>
    %dma_start3A_80 = tpu.memref_squeeze %dma_start3A_79 : memref<1x128xi32, #tpu.memory_space<vmem>> -> memref<128xi32, #tpu.memory_space<vmem>>
    %dma_start3A_81 = arith.constant 0 : i32
    %dma_start3A_82 = tpu.memref_slice %arg5[%dma_start3A_81] : memref<1600000xf32, #tpu.memory_space<hbm>> -> memref<1600000xf32, #tpu.memory_space<hbm>>
    tpu.enqueue_indirect_dma source(%dma_start3A_82 : memref<1600000xf32, #tpu.memory_space<hbm>>) target(%dma_start3A_77 : memref<128xf32, #tpu.memory_space<vmem>>) offsets(%dma_start3A_80 : memref<128xi32, #tpu.memory_space<vmem>>) semaphore(%arg14 : memref<!tpu.dma_semaphore, #tpu.memory_space<semaphore_mem>>)
    %dma_start3A_83 = arith.constant 7 : i32
    %dma_start3A_84 = arith.constant 7 : i32
    %dma_start3A_85 = arith.constant 0 : i32
    %dma_start3A_86 = tpu.memref_slice %arg9[%dma_start3A_84, %dma_start3A_85] : memref<16x128xf32, #tpu.memory_space<vmem>> -> memref<1x128xf32, #tpu.memory_space<vmem>>
    %dma_start3A_87 = tpu.memref_squeeze %dma_start3A_86 : memref<1x128xf32, #tpu.memory_space<vmem>> -> memref<128xf32, #tpu.memory_space<vmem>>
    %dma_start3A_88 = arith.constant 0 : i32
    %dma_start3A_89 = tpu.memref_slice %arg8[%dma_start3A_83, %dma_start3A_88] : memref<16x128xi32, #tpu.memory_space<vmem>> -> memref<1x128xi32, #tpu.memory_space<vmem>>
    %dma_start3A_90 = tpu.memref_squeeze %dma_start3A_89 : memref<1x128xi32, #tpu.memory_space<vmem>> -> memref<128xi32, #tpu.memory_space<vmem>>
    %dma_start3A_91 = arith.constant 0 : i32
    %dma_start3A_92 = tpu.memref_slice %arg5[%dma_start3A_91] : memref<1600000xf32, #tpu.memory_space<hbm>> -> memref<1600000xf32, #tpu.memory_space<hbm>>
    tpu.enqueue_indirect_dma source(%dma_start3A_92 : memref<1600000xf32, #tpu.memory_space<hbm>>) target(%dma_start3A_87 : memref<128xf32, #tpu.memory_space<vmem>>) offsets(%dma_start3A_90 : memref<128xi32, #tpu.memory_space<vmem>>) semaphore(%arg14 : memref<!tpu.dma_semaphore, #tpu.memory_space<semaphore_mem>>)
    %dma_start3A_93 = arith.constant 8 : i32
    %dma_start3A_94 = arith.constant 8 : i32
    %dma_start3A_95 = arith.constant 0 : i32
    %dma_start3A_96 = tpu.memref_slice %arg9[%dma_start3A_94, %dma_start3A_95] : memref<16x128xf32, #tpu.memory_space<vmem>> -> memref<1x128xf32, #tpu.memory_space<vmem>>
    %dma_start3A_97 = tpu.memref_squeeze %dma_start3A_96 : memref<1x128xf32, #tpu.memory_space<vmem>> -> memref<128xf32, #tpu.memory_space<vmem>>
    %dma_start3A_98 = arith.constant 0 : i32
    %dma_start3A_99 = tpu.memref_slice %arg8[%dma_start3A_93, %dma_start3A_98] : memref<16x128xi32, #tpu.memory_space<vmem>> -> memref<1x128xi32, #tpu.memory_space<vmem>>
    %dma_start3A_100 = tpu.memref_squeeze %dma_start3A_99 : memref<1x128xi32, #tpu.memory_space<vmem>> -> memref<128xi32, #tpu.memory_space<vmem>>
    %dma_start3A_101 = arith.constant 0 : i32
    %dma_start3A_102 = tpu.memref_slice %arg5[%dma_start3A_101] : memref<1600000xf32, #tpu.memory_space<hbm>> -> memref<1600000xf32, #tpu.memory_space<hbm>>
    tpu.enqueue_indirect_dma source(%dma_start3A_102 : memref<1600000xf32, #tpu.memory_space<hbm>>) target(%dma_start3A_97 : memref<128xf32, #tpu.memory_space<vmem>>) offsets(%dma_start3A_100 : memref<128xi32, #tpu.memory_space<vmem>>) semaphore(%arg14 : memref<!tpu.dma_semaphore, #tpu.memory_space<semaphore_mem>>)
    %dma_start3A_103 = arith.constant 9 : i32
    %dma_start3A_104 = arith.constant 9 : i32
    %dma_start3A_105 = arith.constant 0 : i32
    %dma_start3A_106 = tpu.memref_slice %arg9[%dma_start3A_104, %dma_start3A_105] : memref<16x128xf32, #tpu.memory_space<vmem>> -> memref<1x128xf32, #tpu.memory_space<vmem>>
    %dma_start3A_107 = tpu.memref_squeeze %dma_start3A_106 : memref<1x128xf32, #tpu.memory_space<vmem>> -> memref<128xf32, #tpu.memory_space<vmem>>
    %dma_start3A_108 = arith.constant 0 : i32
    %dma_start3A_109 = tpu.memref_slice %arg8[%dma_start3A_103, %dma_start3A_108] : memref<16x128xi32, #tpu.memory_space<vmem>> -> memref<1x128xi32, #tpu.memory_space<vmem>>
    %dma_start3A_110 = tpu.memref_squeeze %dma_start3A_109 : memref<1x128xi32, #tpu.memory_space<vmem>> -> memref<128xi32, #tpu.memory_space<vmem>>
    %dma_start3A_111 = arith.constant 0 : i32
    %dma_start3A_112 = tpu.memref_slice %arg5[%dma_start3A_111] : memref<1600000xf32, #tpu.memory_space<hbm>> -> memref<1600000xf32, #tpu.memory_space<hbm>>
    tpu.enqueue_indirect_dma source(%dma_start3A_112 : memref<1600000xf32, #tpu.memory_space<hbm>>) target(%dma_start3A_107 : memref<128xf32, #tpu.memory_space<vmem>>) offsets(%dma_start3A_110 : memref<128xi32, #tpu.memory_space<vmem>>) semaphore(%arg14 : memref<!tpu.dma_semaphore, #tpu.memory_space<semaphore_mem>>)
    %dma_start3A_113 = arith.constant 10 : i32
    %dma_start3A_114 = arith.constant 10 : i32
    %dma_start3A_115 = arith.constant 0 : i32
    %dma_start3A_116 = tpu.memref_slice %arg9[%dma_start3A_114, %dma_start3A_115] : memref<16x128xf32, #tpu.memory_space<vmem>> -> memref<1x128xf32, #tpu.memory_space<vmem>>
    %dma_start3A_117 = tpu.memref_squeeze %dma_start3A_116 : memref<1x128xf32, #tpu.memory_space<vmem>> -> memref<128xf32, #tpu.memory_space<vmem>>
    %dma_start3A_118 = arith.constant 0 : i32
    %dma_start3A_119 = tpu.memref_slice %arg8[%dma_start3A_113, %dma_start3A_118] : memref<16x128xi32, #tpu.memory_space<vmem>> -> memref<1x128xi32, #tpu.memory_space<vmem>>
    %dma_start3A_120 = tpu.memref_squeeze %dma_start3A_119 : memref<1x128xi32, #tpu.memory_space<vmem>> -> memref<128xi32, #tpu.memory_space<vmem>>
    %dma_start3A_121 = arith.constant 0 : i32
    %dma_start3A_122 = tpu.memref_slice %arg5[%dma_start3A_121] : memref<1600000xf32, #tpu.memory_space<hbm>> -> memref<1600000xf32, #tpu.memory_space<hbm>>
    tpu.enqueue_indirect_dma source(%dma_start3A_122 : memref<1600000xf32, #tpu.memory_space<hbm>>) target(%dma_start3A_117 : memref<128xf32, #tpu.memory_space<vmem>>) offsets(%dma_start3A_120 : memref<128xi32, #tpu.memory_space<vmem>>) semaphore(%arg14 : memref<!tpu.dma_semaphore, #tpu.memory_space<semaphore_mem>>)
    %dma_start3A_123 = arith.constant 11 : i32
    %dma_start3A_124 = arith.constant 11 : i32
    %dma_start3A_125 = arith.constant 0 : i32
    %dma_start3A_126 = tpu.memref_slice %arg9[%dma_start3A_124, %dma_start3A_125] : memref<16x128xf32, #tpu.memory_space<vmem>> -> memref<1x128xf32, #tpu.memory_space<vmem>>
    %dma_start3A_127 = tpu.memref_squeeze %dma_start3A_126 : memref<1x128xf32, #tpu.memory_space<vmem>> -> memref<128xf32, #tpu.memory_space<vmem>>
    %dma_start3A_128 = arith.constant 0 : i32
    %dma_start3A_129 = tpu.memref_slice %arg8[%dma_start3A_123, %dma_start3A_128] : memref<16x128xi32, #tpu.memory_space<vmem>> -> memref<1x128xi32, #tpu.memory_space<vmem>>
    %dma_start3A_130 = tpu.memref_squeeze %dma_start3A_129 : memref<1x128xi32, #tpu.memory_space<vmem>> -> memref<128xi32, #tpu.memory_space<vmem>>
    %dma_start3A_131 = arith.constant 0 : i32
    %dma_start3A_132 = tpu.memref_slice %arg5[%dma_start3A_131] : memref<1600000xf32, #tpu.memory_space<hbm>> -> memref<1600000xf32, #tpu.memory_space<hbm>>
    tpu.enqueue_indirect_dma source(%dma_start3A_132 : memref<1600000xf32, #tpu.memory_space<hbm>>) target(%dma_start3A_127 : memref<128xf32, #tpu.memory_space<vmem>>) offsets(%dma_start3A_130 : memref<128xi32, #tpu.memory_space<vmem>>) semaphore(%arg14 : memref<!tpu.dma_semaphore, #tpu.memory_space<semaphore_mem>>)
    %dma_start3A_133 = arith.constant 12 : i32
    %dma_start3A_134 = arith.constant 12 : i32
    %dma_start3A_135 = arith.constant 0 : i32
    %dma_start3A_136 = tpu.memref_slice %arg9[%dma_start3A_134, %dma_start3A_135] : memref<16x128xf32, #tpu.memory_space<vmem>> -> memref<1x128xf32, #tpu.memory_space<vmem>>
    %dma_start3A_137 = tpu.memref_squeeze %dma_start3A_136 : memref<1x128xf32, #tpu.memory_space<vmem>> -> memref<128xf32, #tpu.memory_space<vmem>>
    %dma_start3A_138 = arith.constant 0 : i32
    %dma_start3A_139 = tpu.memref_slice %arg8[%dma_start3A_133, %dma_start3A_138] : memref<16x128xi32, #tpu.memory_space<vmem>> -> memref<1x128xi32, #tpu.memory_space<vmem>>
    %dma_start3A_140 = tpu.memref_squeeze %dma_start3A_139 : memref<1x128xi32, #tpu.memory_space<vmem>> -> memref<128xi32, #tpu.memory_space<vmem>>
    %dma_start3A_141 = arith.constant 0 : i32
    %dma_start3A_142 = tpu.memref_slice %arg5[%dma_start3A_141] : memref<1600000xf32, #tpu.memory_space<hbm>> -> memref<1600000xf32, #tpu.memory_space<hbm>>
    tpu.enqueue_indirect_dma source(%dma_start3A_142 : memref<1600000xf32, #tpu.memory_space<hbm>>) target(%dma_start3A_137 : memref<128xf32, #tpu.memory_space<vmem>>) offsets(%dma_start3A_140 : memref<128xi32, #tpu.memory_space<vmem>>) semaphore(%arg14 : memref<!tpu.dma_semaphore, #tpu.memory_space<semaphore_mem>>)
    %dma_start3A_143 = arith.constant 13 : i32
    %dma_start3A_144 = arith.constant 13 : i32
    %dma_start3A_145 = arith.constant 0 : i32
    %dma_start3A_146 = tpu.memref_slice %arg9[%dma_start3A_144, %dma_start3A_145] : memref<16x128xf32, #tpu.memory_space<vmem>> -> memref<1x128xf32, #tpu.memory_space<vmem>>
    %dma_start3A_147 = tpu.memref_squeeze %dma_start3A_146 : memref<1x128xf32, #tpu.memory_space<vmem>> -> memref<128xf32, #tpu.memory_space<vmem>>
    %dma_start3A_148 = arith.constant 0 : i32
    %dma_start3A_149 = tpu.memref_slice %arg8[%dma_start3A_143, %dma_start3A_148] : memref<16x128xi32, #tpu.memory_space<vmem>> -> memref<1x128xi32, #tpu.memory_space<vmem>>
    %dma_start3A_150 = tpu.memref_squeeze %dma_start3A_149 : memref<1x128xi32, #tpu.memory_space<vmem>> -> memref<128xi32, #tpu.memory_space<vmem>>
    %dma_start3A_151 = arith.constant 0 : i32
    %dma_start3A_152 = tpu.memref_slice %arg5[%dma_start3A_151] : memref<1600000xf32, #tpu.memory_space<hbm>> -> memref<1600000xf32, #tpu.memory_space<hbm>>
    tpu.enqueue_indirect_dma source(%dma_start3A_152 : memref<1600000xf32, #tpu.memory_space<hbm>>) target(%dma_start3A_147 : memref<128xf32, #tpu.memory_space<vmem>>) offsets(%dma_start3A_150 : memref<128xi32, #tpu.memory_space<vmem>>) semaphore(%arg14 : memref<!tpu.dma_semaphore, #tpu.memory_space<semaphore_mem>>)
    %dma_start3A_153 = arith.constant 14 : i32
    %dma_start3A_154 = arith.constant 14 : i32
    %dma_start3A_155 = arith.constant 0 : i32
    %dma_start3A_156 = tpu.memref_slice %arg9[%dma_start3A_154, %dma_start3A_155] : memref<16x128xf32, #tpu.memory_space<vmem>> -> memref<1x128xf32, #tpu.memory_space<vmem>>
    %dma_start3A_157 = tpu.memref_squeeze %dma_start3A_156 : memref<1x128xf32, #tpu.memory_space<vmem>> -> memref<128xf32, #tpu.memory_space<vmem>>
    %dma_start3A_158 = arith.constant 0 : i32
    %dma_start3A_159 = tpu.memref_slice %arg8[%dma_start3A_153, %dma_start3A_158] : memref<16x128xi32, #tpu.memory_space<vmem>> -> memref<1x128xi32, #tpu.memory_space<vmem>>
    %dma_start3A_160 = tpu.memref_squeeze %dma_start3A_159 : memref<1x128xi32, #tpu.memory_space<vmem>> -> memref<128xi32, #tpu.memory_space<vmem>>
    %dma_start3A_161 = arith.constant 0 : i32
    %dma_start3A_162 = tpu.memref_slice %arg5[%dma_start3A_161] : memref<1600000xf32, #tpu.memory_space<hbm>> -> memref<1600000xf32, #tpu.memory_space<hbm>>
    tpu.enqueue_indirect_dma source(%dma_start3A_162 : memref<1600000xf32, #tpu.memory_space<hbm>>) target(%dma_start3A_157 : memref<128xf32, #tpu.memory_space<vmem>>) offsets(%dma_start3A_160 : memref<128xi32, #tpu.memory_space<vmem>>) semaphore(%arg14 : memref<!tpu.dma_semaphore, #tpu.memory_space<semaphore_mem>>)
    %dma_start3A_163 = arith.constant 15 : i32
    %dma_start3A_164 = arith.constant 15 : i32
    %dma_start3A_165 = arith.constant 0 : i32
    %dma_start3A_166 = tpu.memref_slice %arg9[%dma_start3A_164, %dma_start3A_165] : memref<16x128xf32, #tpu.memory_space<vmem>> -> memref<1x128xf32, #tpu.memory_space<vmem>>
    %dma_start3A_167 = tpu.memref_squeeze %dma_start3A_166 : memref<1x128xf32, #tpu.memory_space<vmem>> -> memref<128xf32, #tpu.memory_space<vmem>>
    %dma_start3A_168 = arith.constant 0 : i32
    %dma_start3A_169 = tpu.memref_slice %arg8[%dma_start3A_163, %dma_start3A_168] : memref<16x128xi32, #tpu.memory_space<vmem>> -> memref<1x128xi32, #tpu.memory_space<vmem>>
    %dma_start3A_170 = tpu.memref_squeeze %dma_start3A_169 : memref<1x128xi32, #tpu.memory_space<vmem>> -> memref<128xi32, #tpu.memory_space<vmem>>
    %dma_start3A_171 = arith.constant 0 : i32
    %dma_start3A_172 = tpu.memref_slice %arg5[%dma_start3A_171] : memref<1600000xf32, #tpu.memory_space<hbm>> -> memref<1600000xf32, #tpu.memory_space<hbm>>
    tpu.enqueue_indirect_dma source(%dma_start3A_172 : memref<1600000xf32, #tpu.memory_space<hbm>>) target(%dma_start3A_167 : memref<128xf32, #tpu.memory_space<vmem>>) offsets(%dma_start3A_170 : memref<128xi32, #tpu.memory_space<vmem>>) semaphore(%arg14 : memref<!tpu.dma_semaphore, #tpu.memory_space<semaphore_mem>>)
    %iota3A = tpu.iota {dimensions = array<i32: 0>} : vector<16xi32>
    %mul3A_173 = arith.constant 16 : i32
    %mul3A_174 = vector.broadcast %mul3A_173 : i32 to vector<16xi32>
    %mul3A_175 = arith.muli %iota3A, %mul3A_174 : vector<16xi32>
    %get3A = arith.constant 0 : index
    %get3A_176 = tpu.vector_load %arg11[%get3A] {strides = array<i32>} : memref<16xf32, #tpu.memory_space<vmem>>, vector<16xf32>,
    %add3A_177 = arith.constant 0 : i32
    %add3A_178 = vector.broadcast %add3A_177 : i32 to vector<16xi32>
    %add3A_179 = arith.addi %mul3A_175, %add3A_178 : vector<16xi32>
    tpu.vector_store_idx %arg12[%add3A_179], %get3A_176 : memref<256xf32, #tpu.memory_space<vmem>>[vector<16xi32>], vector<16xf32>,
    %add3A_180 = arith.constant 1 : i32
    %add3A_181 = vector.broadcast %add3A_180 : i32 to vector<16xi32>
    %add3A_182 = arith.addi %mul3A_175, %add3A_181 : vector<16xi32>
    tpu.vector_store_idx %arg12[%add3A_182], %get3A_176 : memref<256xf32, #tpu.memory_space<vmem>>[vector<16xi32>], vector<16xf32>,
    %add3A_183 = arith.constant 2 : i32
    %add3A_184 = vector.broadcast %add3A_183 : i32 to vector<16xi32>
    %add3A_185 = arith.addi %mul3A_175, %add3A_184 : vector<16xi32>
    tpu.vector_store_idx %arg12[%add3A_185], %get3A_176 : memref<256xf32, #tpu.memory_space<vmem>>[vector<16xi32>], vector<16xf32>,
    %add3A_186 = arith.constant 3 : i32
    %add3A_187 = vector.broadcast %add3A_186 : i32 to vector<16xi32>
    %add3A_188 = arith.addi %mul3A_175, %add3A_187 : vector<16xi32>
    tpu.vector_store_idx %arg12[%add3A_188], %get3A_176 : memref<256xf32, #tpu.memory_space<vmem>>[vector<16xi32>], vector<16xf32>,
    %add3A_189 = arith.constant 4 : i32
    %add3A_190 = vector.broadcast %add3A_189 : i32 to vector<16xi32>
    %add3A_191 = arith.addi %mul3A_175, %add3A_190 : vector<16xi32>
    tpu.vector_store_idx %arg12[%add3A_191], %get3A_176 : memref<256xf32, #tpu.memory_space<vmem>>[vector<16xi32>], vector<16xf32>,
    %add3A_192 = arith.constant 5 : i32
    %add3A_193 = vector.broadcast %add3A_192 : i32 to vector<16xi32>
    %add3A_194 = arith.addi %mul3A_175, %add3A_193 : vector<16xi32>
    tpu.vector_store_idx %arg12[%add3A_194], %get3A_176 : memref<256xf32, #tpu.memory_space<vmem>>[vector<16xi32>], vector<16xf32>,
    %add3A_195 = arith.constant 6 : i32
    %add3A_196 = vector.broadcast %add3A_195 : i32 to vector<16xi32>
    %add3A_197 = arith.addi %mul3A_175, %add3A_196 : vector<16xi32>
    tpu.vector_store_idx %arg12[%add3A_197], %get3A_176 : memref<256xf32, #tpu.memory_space<vmem>>[vector<16xi32>], vector<16xf32>,
    %add3A_198 = arith.constant 7 : i32
    %add3A_199 = vector.broadcast %add3A_198 : i32 to vector<16xi32>
    %add3A_200 = arith.addi %mul3A_175, %add3A_199 : vector<16xi32>
    tpu.vector_store_idx %arg12[%add3A_200], %get3A_176 : memref<256xf32, #tpu.memory_space<vmem>>[vector<16xi32>], vector<16xf32>,
    %add3A_201 = arith.constant 8 : i32
    %add3A_202 = vector.broadcast %add3A_201 : i32 to vector<16xi32>
    %add3A_203 = arith.addi %mul3A_175, %add3A_202 : vector<16xi32>
    tpu.vector_store_idx %arg12[%add3A_203], %get3A_176 : memref<256xf32, #tpu.memory_space<vmem>>[vector<16xi32>], vector<16xf32>,
    %add3A_204 = arith.constant 9 : i32
    %add3A_205 = vector.broadcast %add3A_204 : i32 to vector<16xi32>
    %add3A_206 = arith.addi %mul3A_175, %add3A_205 : vector<16xi32>
    tpu.vector_store_idx %arg12[%add3A_206], %get3A_176 : memref<256xf32, #tpu.memory_space<vmem>>[vector<16xi32>], vector<16xf32>,
    %add3A_207 = arith.constant 10 : i32
    %add3A_208 = vector.broadcast %add3A_207 : i32 to vector<16xi32>
    %add3A_209 = arith.addi %mul3A_175, %add3A_208 : vector<16xi32>
    tpu.vector_store_idx %arg12[%add3A_209], %get3A_176 : memref<256xf32, #tpu.memory_space<vmem>>[vector<16xi32>], vector<16xf32>,
    %add3A_210 = arith.constant 11 : i32
    %add3A_211 = vector.broadcast %add3A_210 : i32 to vector<16xi32>
    %add3A_212 = arith.addi %mul3A_175, %add3A_211 : vector<16xi32>
    tpu.vector_store_idx %arg12[%add3A_212], %get3A_176 : memref<256xf32, #tpu.memory_space<vmem>>[vector<16xi32>], vector<16xf32>,
    %add3A_213 = arith.constant 12 : i32
    %add3A_214 = vector.broadcast %add3A_213 : i32 to vector<16xi32>
    %add3A_215 = arith.addi %mul3A_175, %add3A_214 : vector<16xi32>
    tpu.vector_store_idx %arg12[%add3A_215], %get3A_176 : memref<256xf32, #tpu.memory_space<vmem>>[vector<16xi32>], vector<16xf32>,
    %add3A_216 = arith.constant 13 : i32
    %add3A_217 = vector.broadcast %add3A_216 : i32 to vector<16xi32>
    %add3A_218 = arith.addi %mul3A_175, %add3A_217 : vector<16xi32>
    tpu.vector_store_idx %arg12[%add3A_218], %get3A_176 : memref<256xf32, #tpu.memory_space<vmem>>[vector<16xi32>], vector<16xf32>,
    %add3A_219 = arith.constant 14 : i32
    %add3A_220 = vector.broadcast %add3A_219 : i32 to vector<16xi32>
    %add3A_221 = arith.addi %mul3A_175, %add3A_220 : vector<16xi32>
    tpu.vector_store_idx %arg12[%add3A_221], %get3A_176 : memref<256xf32, #tpu.memory_space<vmem>>[vector<16xi32>], vector<16xf32>,
    %add3A_222 = arith.constant 15 : i32
    %add3A_223 = vector.broadcast %add3A_222 : i32 to vector<16xi32>
    %add3A_224 = arith.addi %mul3A_175, %add3A_223 : vector<16xi32>
    tpu.vector_store_idx %arg12[%add3A_224], %get3A_176 : memref<256xf32, #tpu.memory_space<vmem>>[vector<16xi32>], vector<16xf32>,
    %dma_wait3A = arith.constant 0 : i32
    %dma_wait3A_225 = arith.constant 0 : i32
    %dma_wait3A_226 = tpu.memref_slice %arg8[%dma_wait3A, %dma_wait3A_225] : memref<16x128xi32, #tpu.memory_space<vmem>> -> memref<1x128xi32, #tpu.memory_space<vmem>>
    %dma_wait3A_227 = tpu.memref_squeeze %dma_wait3A_226 : memref<1x128xi32, #tpu.memory_space<vmem>> -> memref<128xi32, #tpu.memory_space<vmem>>
    %dma_wait3A_228 = arith.constant 0 : i32
    %dma_wait3A_229 = tpu.memref_slice %arg3[%dma_wait3A_228] : memref<100000xf32, #tpu.memory_space<hbm>> -> memref<100000xf32, #tpu.memory_space<hbm>>
    tpu.wait_indirect_dma semaphore(%arg15 : memref<!tpu.dma_semaphore, #tpu.memory_space<semaphore_mem>>) src(%dma_wait3A_229 : memref<100000xf32, #tpu.memory_space<hbm>>) dst(%arg10 : memref<128xf32, #tpu.memory_space<vmem>>)
    %dma_wait3A_230 = arith.constant 0 : i32
    %dma_wait3A_231 = arith.constant 0 : i32
    %dma_wait3A_232 = arith.constant 0 : i32
    %dma_wait3A_233 = tpu.memref_slice %arg9[%dma_wait3A_231, %dma_wait3A_232] : memref<16x128xf32, #tpu.memory_space<vmem>> -> memref<1x128xf32, #tpu.memory_space<vmem>>
    %dma_wait3A_234 = tpu.memref_squeeze %dma_wait3A_233 : memref<1x128xf32, #tpu.memory_space<vmem>> -> memref<128xf32, #tpu.memory_space<vmem>>
    %dma_wait3A_235 = arith.constant 0 : i32
    %dma_wait3A_236 = tpu.memref_slice %arg8[%dma_wait3A_230, %dma_wait3A_235] : memref<16x128xi32, #tpu.memory_space<vmem>> -> memref<1x128xi32, #tpu.memory_space<vmem>>
    %dma_wait3A_237 = tpu.memref_squeeze %dma_wait3A_236 : memref<1x128xi32, #tpu.memory_space<vmem>> -> memref<128xi32, #tpu.memory_space<vmem>>
    %dma_wait3A_238 = arith.constant 0 : i32
    %dma_wait3A_239 = tpu.memref_slice %arg5[%dma_wait3A_238] : memref<1600000xf32, #tpu.memory_space<hbm>> -> memref<1600000xf32, #tpu.memory_space<hbm>>
    tpu.wait_indirect_dma semaphore(%arg14 : memref<!tpu.dma_semaphore, #tpu.memory_space<semaphore_mem>>) src(%dma_wait3A_239 : memref<1600000xf32, #tpu.memory_space<hbm>>) dst(%dma_wait3A_234 : memref<128xf32, #tpu.memory_space<vmem>>)
    %dma_wait3A_240 = arith.constant 1 : i32
    %dma_wait3A_241 = arith.constant 1 : i32
    %dma_wait3A_242 = arith.constant 0 : i32
    %dma_wait3A_243 = tpu.memref_slice %arg9[%dma_wait3A_241, %dma_wait3A_242] : memref<16x128xf32, #tpu.memory_space<vmem>> -> memref<1x128xf32, #tpu.memory_space<vmem>>
    %dma_wait3A_244 = tpu.memref_squeeze %dma_wait3A_243 : memref<1x128xf32, #tpu.memory_space<vmem>> -> memref<128xf32, #tpu.memory_space<vmem>>
    %dma_wait3A_245 = arith.constant 0 : i32
    %dma_wait3A_246 = tpu.memref_slice %arg8[%dma_wait3A_240, %dma_wait3A_245] : memref<16x128xi32, #tpu.memory_space<vmem>> -> memref<1x128xi32, #tpu.memory_space<vmem>>
    %dma_wait3A_247 = tpu.memref_squeeze %dma_wait3A_246 : memref<1x128xi32, #tpu.memory_space<vmem>> -> memref<128xi32, #tpu.memory_space<vmem>>
    %dma_wait3A_248 = arith.constant 0 : i32
    %dma_wait3A_249 = tpu.memref_slice %arg5[%dma_wait3A_248] : memref<1600000xf32, #tpu.memory_space<hbm>> -> memref<1600000xf32, #tpu.memory_space<hbm>>
    tpu.wait_indirect_dma semaphore(%arg14 : memref<!tpu.dma_semaphore, #tpu.memory_space<semaphore_mem>>) src(%dma_wait3A_249 : memref<1600000xf32, #tpu.memory_space<hbm>>) dst(%dma_wait3A_244 : memref<128xf32, #tpu.memory_space<vmem>>)
    %dma_wait3A_250 = arith.constant 2 : i32
    %dma_wait3A_251 = arith.constant 2 : i32
    %dma_wait3A_252 = arith.constant 0 : i32
    %dma_wait3A_253 = tpu.memref_slice %arg9[%dma_wait3A_251, %dma_wait3A_252] : memref<16x128xf32, #tpu.memory_space<vmem>> -> memref<1x128xf32, #tpu.memory_space<vmem>>
    %dma_wait3A_254 = tpu.memref_squeeze %dma_wait3A_253 : memref<1x128xf32, #tpu.memory_space<vmem>> -> memref<128xf32, #tpu.memory_space<vmem>>
    %dma_wait3A_255 = arith.constant 0 : i32
    %dma_wait3A_256 = tpu.memref_slice %arg8[%dma_wait3A_250, %dma_wait3A_255] : memref<16x128xi32, #tpu.memory_space<vmem>> -> memref<1x128xi32, #tpu.memory_space<vmem>>
    %dma_wait3A_257 = tpu.memref_squeeze %dma_wait3A_256 : memref<1x128xi32, #tpu.memory_space<vmem>> -> memref<128xi32, #tpu.memory_space<vmem>>
    %dma_wait3A_258 = arith.constant 0 : i32
    %dma_wait3A_259 = tpu.memref_slice %arg5[%dma_wait3A_258] : memref<1600000xf32, #tpu.memory_space<hbm>> -> memref<1600000xf32, #tpu.memory_space<hbm>>
    tpu.wait_indirect_dma semaphore(%arg14 : memref<!tpu.dma_semaphore, #tpu.memory_space<semaphore_mem>>) src(%dma_wait3A_259 : memref<1600000xf32, #tpu.memory_space<hbm>>) dst(%dma_wait3A_254 : memref<128xf32, #tpu.memory_space<vmem>>)
    %dma_wait3A_260 = arith.constant 3 : i32
    %dma_wait3A_261 = arith.constant 3 : i32
    %dma_wait3A_262 = arith.constant 0 : i32
    %dma_wait3A_263 = tpu.memref_slice %arg9[%dma_wait3A_261, %dma_wait3A_262] : memref<16x128xf32, #tpu.memory_space<vmem>> -> memref<1x128xf32, #tpu.memory_space<vmem>>
    %dma_wait3A_264 = tpu.memref_squeeze %dma_wait3A_263 : memref<1x128xf32, #tpu.memory_space<vmem>> -> memref<128xf32, #tpu.memory_space<vmem>>
    %dma_wait3A_265 = arith.constant 0 : i32
    %dma_wait3A_266 = tpu.memref_slice %arg8[%dma_wait3A_260, %dma_wait3A_265] : memref<16x128xi32, #tpu.memory_space<vmem>> -> memref<1x128xi32, #tpu.memory_space<vmem>>
    %dma_wait3A_267 = tpu.memref_squeeze %dma_wait3A_266 : memref<1x128xi32, #tpu.memory_space<vmem>> -> memref<128xi32, #tpu.memory_space<vmem>>
    %dma_wait3A_268 = arith.constant 0 : i32
    %dma_wait3A_269 = tpu.memref_slice %arg5[%dma_wait3A_268] : memref<1600000xf32, #tpu.memory_space<hbm>> -> memref<1600000xf32, #tpu.memory_space<hbm>>
    tpu.wait_indirect_dma semaphore(%arg14 : memref<!tpu.dma_semaphore, #tpu.memory_space<semaphore_mem>>) src(%dma_wait3A_269 : memref<1600000xf32, #tpu.memory_space<hbm>>) dst(%dma_wait3A_264 : memref<128xf32, #tpu.memory_space<vmem>>)
    %dma_wait3A_270 = arith.constant 4 : i32
    %dma_wait3A_271 = arith.constant 4 : i32
    %dma_wait3A_272 = arith.constant 0 : i32
    %dma_wait3A_273 = tpu.memref_slice %arg9[%dma_wait3A_271, %dma_wait3A_272] : memref<16x128xf32, #tpu.memory_space<vmem>> -> memref<1x128xf32, #tpu.memory_space<vmem>>
    %dma_wait3A_274 = tpu.memref_squeeze %dma_wait3A_273 : memref<1x128xf32, #tpu.memory_space<vmem>> -> memref<128xf32, #tpu.memory_space<vmem>>
    %dma_wait3A_275 = arith.constant 0 : i32
    %dma_wait3A_276 = tpu.memref_slice %arg8[%dma_wait3A_270, %dma_wait3A_275] : memref<16x128xi32, #tpu.memory_space<vmem>> -> memref<1x128xi32, #tpu.memory_space<vmem>>
    %dma_wait3A_277 = tpu.memref_squeeze %dma_wait3A_276 : memref<1x128xi32, #tpu.memory_space<vmem>> -> memref<128xi32, #tpu.memory_space<vmem>>
    %dma_wait3A_278 = arith.constant 0 : i32
    %dma_wait3A_279 = tpu.memref_slice %arg5[%dma_wait3A_278] : memref<1600000xf32, #tpu.memory_space<hbm>> -> memref<1600000xf32, #tpu.memory_space<hbm>>
    tpu.wait_indirect_dma semaphore(%arg14 : memref<!tpu.dma_semaphore, #tpu.memory_space<semaphore_mem>>) src(%dma_wait3A_279 : memref<1600000xf32, #tpu.memory_space<hbm>>) dst(%dma_wait3A_274 : memref<128xf32, #tpu.memory_space<vmem>>)
    %dma_wait3A_280 = arith.constant 5 : i32
    %dma_wait3A_281 = arith.constant 5 : i32
    %dma_wait3A_282 = arith.constant 0 : i32
    %dma_wait3A_283 = tpu.memref_slice %arg9[%dma_wait3A_281, %dma_wait3A_282] : memref<16x128xf32, #tpu.memory_space<vmem>> -> memref<1x128xf32, #tpu.memory_space<vmem>>
    %dma_wait3A_284 = tpu.memref_squeeze %dma_wait3A_283 : memref<1x128xf32, #tpu.memory_space<vmem>> -> memref<128xf32, #tpu.memory_space<vmem>>
    %dma_wait3A_285 = arith.constant 0 : i32
    %dma_wait3A_286 = tpu.memref_slice %arg8[%dma_wait3A_280, %dma_wait3A_285] : memref<16x128xi32, #tpu.memory_space<vmem>> -> memref<1x128xi32, #tpu.memory_space<vmem>>
    %dma_wait3A_287 = tpu.memref_squeeze %dma_wait3A_286 : memref<1x128xi32, #tpu.memory_space<vmem>> -> memref<128xi32, #tpu.memory_space<vmem>>
    %dma_wait3A_288 = arith.constant 0 : i32
    %dma_wait3A_289 = tpu.memref_slice %arg5[%dma_wait3A_288] : memref<1600000xf32, #tpu.memory_space<hbm>> -> memref<1600000xf32, #tpu.memory_space<hbm>>
    tpu.wait_indirect_dma semaphore(%arg14 : memref<!tpu.dma_semaphore, #tpu.memory_space<semaphore_mem>>) src(%dma_wait3A_289 : memref<1600000xf32, #tpu.memory_space<hbm>>) dst(%dma_wait3A_284 : memref<128xf32, #tpu.memory_space<vmem>>)
    %dma_wait3A_290 = arith.constant 6 : i32
    %dma_wait3A_291 = arith.constant 6 : i32
    %dma_wait3A_292 = arith.constant 0 : i32
    %dma_wait3A_293 = tpu.memref_slice %arg9[%dma_wait3A_291, %dma_wait3A_292] : memref<16x128xf32, #tpu.memory_space<vmem>> -> memref<1x128xf32, #tpu.memory_space<vmem>>
    %dma_wait3A_294 = tpu.memref_squeeze %dma_wait3A_293 : memref<1x128xf32, #tpu.memory_space<vmem>> -> memref<128xf32, #tpu.memory_space<vmem>>
    %dma_wait3A_295 = arith.constant 0 : i32
    %dma_wait3A_296 = tpu.memref_slice %arg8[%dma_wait3A_290, %dma_wait3A_295] : memref<16x128xi32, #tpu.memory_space<vmem>> -> memref<1x128xi32, #tpu.memory_space<vmem>>
    %dma_wait3A_297 = tpu.memref_squeeze %dma_wait3A_296 : memref<1x128xi32, #tpu.memory_space<vmem>> -> memref<128xi32, #tpu.memory_space<vmem>>
    %dma_wait3A_298 = arith.constant 0 : i32
    %dma_wait3A_299 = tpu.memref_slice %arg5[%dma_wait3A_298] : memref<1600000xf32, #tpu.memory_space<hbm>> -> memref<1600000xf32, #tpu.memory_space<hbm>>
    tpu.wait_indirect_dma semaphore(%arg14 : memref<!tpu.dma_semaphore, #tpu.memory_space<semaphore_mem>>) src(%dma_wait3A_299 : memref<1600000xf32, #tpu.memory_space<hbm>>) dst(%dma_wait3A_294 : memref<128xf32, #tpu.memory_space<vmem>>)
    %dma_wait3A_300 = arith.constant 7 : i32
    %dma_wait3A_301 = arith.constant 7 : i32
    %dma_wait3A_302 = arith.constant 0 : i32
    %dma_wait3A_303 = tpu.memref_slice %arg9[%dma_wait3A_301, %dma_wait3A_302] : memref<16x128xf32, #tpu.memory_space<vmem>> -> memref<1x128xf32, #tpu.memory_space<vmem>>
    %dma_wait3A_304 = tpu.memref_squeeze %dma_wait3A_303 : memref<1x128xf32, #tpu.memory_space<vmem>> -> memref<128xf32, #tpu.memory_space<vmem>>
    %dma_wait3A_305 = arith.constant 0 : i32
    %dma_wait3A_306 = tpu.memref_slice %arg8[%dma_wait3A_300, %dma_wait3A_305] : memref<16x128xi32, #tpu.memory_space<vmem>> -> memref<1x128xi32, #tpu.memory_space<vmem>>
    %dma_wait3A_307 = tpu.memref_squeeze %dma_wait3A_306 : memref<1x128xi32, #tpu.memory_space<vmem>> -> memref<128xi32, #tpu.memory_space<vmem>>
    %dma_wait3A_308 = arith.constant 0 : i32
    %dma_wait3A_309 = tpu.memref_slice %arg5[%dma_wait3A_308] : memref<1600000xf32, #tpu.memory_space<hbm>> -> memref<1600000xf32, #tpu.memory_space<hbm>>
    tpu.wait_indirect_dma semaphore(%arg14 : memref<!tpu.dma_semaphore, #tpu.memory_space<semaphore_mem>>) src(%dma_wait3A_309 : memref<1600000xf32, #tpu.memory_space<hbm>>) dst(%dma_wait3A_304 : memref<128xf32, #tpu.memory_space<vmem>>)
    %dma_wait3A_310 = arith.constant 8 : i32
    %dma_wait3A_311 = arith.constant 8 : i32
    %dma_wait3A_312 = arith.constant 0 : i32
    %dma_wait3A_313 = tpu.memref_slice %arg9[%dma_wait3A_311, %dma_wait3A_312] : memref<16x128xf32, #tpu.memory_space<vmem>> -> memref<1x128xf32, #tpu.memory_space<vmem>>
    %dma_wait3A_314 = tpu.memref_squeeze %dma_wait3A_313 : memref<1x128xf32, #tpu.memory_space<vmem>> -> memref<128xf32, #tpu.memory_space<vmem>>
    %dma_wait3A_315 = arith.constant 0 : i32
    %dma_wait3A_316 = tpu.memref_slice %arg8[%dma_wait3A_310, %dma_wait3A_315] : memref<16x128xi32, #tpu.memory_space<vmem>> -> memref<1x128xi32, #tpu.memory_space<vmem>>
    %dma_wait3A_317 = tpu.memref_squeeze %dma_wait3A_316 : memref<1x128xi32, #tpu.memory_space<vmem>> -> memref<128xi32, #tpu.memory_space<vmem>>
    %dma_wait3A_318 = arith.constant 0 : i32
    %dma_wait3A_319 = tpu.memref_slice %arg5[%dma_wait3A_318] : memref<1600000xf32, #tpu.memory_space<hbm>> -> memref<1600000xf32, #tpu.memory_space<hbm>>
    tpu.wait_indirect_dma semaphore(%arg14 : memref<!tpu.dma_semaphore, #tpu.memory_space<semaphore_mem>>) src(%dma_wait3A_319 : memref<1600000xf32, #tpu.memory_space<hbm>>) dst(%dma_wait3A_314 : memref<128xf32, #tpu.memory_space<vmem>>)
    %dma_wait3A_320 = arith.constant 9 : i32
    %dma_wait3A_321 = arith.constant 9 : i32
    %dma_wait3A_322 = arith.constant 0 : i32
    %dma_wait3A_323 = tpu.memref_slice %arg9[%dma_wait3A_321, %dma_wait3A_322] : memref<16x128xf32, #tpu.memory_space<vmem>> -> memref<1x128xf32, #tpu.memory_space<vmem>>
    %dma_wait3A_324 = tpu.memref_squeeze %dma_wait3A_323 : memref<1x128xf32, #tpu.memory_space<vmem>> -> memref<128xf32, #tpu.memory_space<vmem>>
    %dma_wait3A_325 = arith.constant 0 : i32
    %dma_wait3A_326 = tpu.memref_slice %arg8[%dma_wait3A_320, %dma_wait3A_325] : memref<16x128xi32, #tpu.memory_space<vmem>> -> memref<1x128xi32, #tpu.memory_space<vmem>>
    %dma_wait3A_327 = tpu.memref_squeeze %dma_wait3A_326 : memref<1x128xi32, #tpu.memory_space<vmem>> -> memref<128xi32, #tpu.memory_space<vmem>>
    %dma_wait3A_328 = arith.constant 0 : i32
    %dma_wait3A_329 = tpu.memref_slice %arg5[%dma_wait3A_328] : memref<1600000xf32, #tpu.memory_space<hbm>> -> memref<1600000xf32, #tpu.memory_space<hbm>>
    tpu.wait_indirect_dma semaphore(%arg14 : memref<!tpu.dma_semaphore, #tpu.memory_space<semaphore_mem>>) src(%dma_wait3A_329 : memref<1600000xf32, #tpu.memory_space<hbm>>) dst(%dma_wait3A_324 : memref<128xf32, #tpu.memory_space<vmem>>)
    %dma_wait3A_330 = arith.constant 10 : i32
    %dma_wait3A_331 = arith.constant 10 : i32
    %dma_wait3A_332 = arith.constant 0 : i32
    %dma_wait3A_333 = tpu.memref_slice %arg9[%dma_wait3A_331, %dma_wait3A_332] : memref<16x128xf32, #tpu.memory_space<vmem>> -> memref<1x128xf32, #tpu.memory_space<vmem>>
    %dma_wait3A_334 = tpu.memref_squeeze %dma_wait3A_333 : memref<1x128xf32, #tpu.memory_space<vmem>> -> memref<128xf32, #tpu.memory_space<vmem>>
    %dma_wait3A_335 = arith.constant 0 : i32
    %dma_wait3A_336 = tpu.memref_slice %arg8[%dma_wait3A_330, %dma_wait3A_335] : memref<16x128xi32, #tpu.memory_space<vmem>> -> memref<1x128xi32, #tpu.memory_space<vmem>>
    %dma_wait3A_337 = tpu.memref_squeeze %dma_wait3A_336 : memref<1x128xi32, #tpu.memory_space<vmem>> -> memref<128xi32, #tpu.memory_space<vmem>>
    %dma_wait3A_338 = arith.constant 0 : i32
    %dma_wait3A_339 = tpu.memref_slice %arg5[%dma_wait3A_338] : memref<1600000xf32, #tpu.memory_space<hbm>> -> memref<1600000xf32, #tpu.memory_space<hbm>>
    tpu.wait_indirect_dma semaphore(%arg14 : memref<!tpu.dma_semaphore, #tpu.memory_space<semaphore_mem>>) src(%dma_wait3A_339 : memref<1600000xf32, #tpu.memory_space<hbm>>) dst(%dma_wait3A_334 : memref<128xf32, #tpu.memory_space<vmem>>)
    %dma_wait3A_340 = arith.constant 11 : i32
    %dma_wait3A_341 = arith.constant 11 : i32
    %dma_wait3A_342 = arith.constant 0 : i32
    %dma_wait3A_343 = tpu.memref_slice %arg9[%dma_wait3A_341, %dma_wait3A_342] : memref<16x128xf32, #tpu.memory_space<vmem>> -> memref<1x128xf32, #tpu.memory_space<vmem>>
    %dma_wait3A_344 = tpu.memref_squeeze %dma_wait3A_343 : memref<1x128xf32, #tpu.memory_space<vmem>> -> memref<128xf32, #tpu.memory_space<vmem>>
    %dma_wait3A_345 = arith.constant 0 : i32
    %dma_wait3A_346 = tpu.memref_slice %arg8[%dma_wait3A_340, %dma_wait3A_345] : memref<16x128xi32, #tpu.memory_space<vmem>> -> memref<1x128xi32, #tpu.memory_space<vmem>>
    %dma_wait3A_347 = tpu.memref_squeeze %dma_wait3A_346 : memref<1x128xi32, #tpu.memory_space<vmem>> -> memref<128xi32, #tpu.memory_space<vmem>>
    %dma_wait3A_348 = arith.constant 0 : i32
    %dma_wait3A_349 = tpu.memref_slice %arg5[%dma_wait3A_348] : memref<1600000xf32, #tpu.memory_space<hbm>> -> memref<1600000xf32, #tpu.memory_space<hbm>>
    tpu.wait_indirect_dma semaphore(%arg14 : memref<!tpu.dma_semaphore, #tpu.memory_space<semaphore_mem>>) src(%dma_wait3A_349 : memref<1600000xf32, #tpu.memory_space<hbm>>) dst(%dma_wait3A_344 : memref<128xf32, #tpu.memory_space<vmem>>)
    %dma_wait3A_350 = arith.constant 12 : i32
    %dma_wait3A_351 = arith.constant 12 : i32
    %dma_wait3A_352 = arith.constant 0 : i32
    %dma_wait3A_353 = tpu.memref_slice %arg9[%dma_wait3A_351, %dma_wait3A_352] : memref<16x128xf32, #tpu.memory_space<vmem>> -> memref<1x128xf32, #tpu.memory_space<vmem>>
    %dma_wait3A_354 = tpu.memref_squeeze %dma_wait3A_353 : memref<1x128xf32, #tpu.memory_space<vmem>> -> memref<128xf32, #tpu.memory_space<vmem>>
    %dma_wait3A_355 = arith.constant 0 : i32
    %dma_wait3A_356 = tpu.memref_slice %arg8[%dma_wait3A_350, %dma_wait3A_355] : memref<16x128xi32, #tpu.memory_space<vmem>> -> memref<1x128xi32, #tpu.memory_space<vmem>>
    %dma_wait3A_357 = tpu.memref_squeeze %dma_wait3A_356 : memref<1x128xi32, #tpu.memory_space<vmem>> -> memref<128xi32, #tpu.memory_space<vmem>>
    %dma_wait3A_358 = arith.constant 0 : i32
    %dma_wait3A_359 = tpu.memref_slice %arg5[%dma_wait3A_358] : memref<1600000xf32, #tpu.memory_space<hbm>> -> memref<1600000xf32, #tpu.memory_space<hbm>>
    tpu.wait_indirect_dma semaphore(%arg14 : memref<!tpu.dma_semaphore, #tpu.memory_space<semaphore_mem>>) src(%dma_wait3A_359 : memref<1600000xf32, #tpu.memory_space<hbm>>) dst(%dma_wait3A_354 : memref<128xf32, #tpu.memory_space<vmem>>)
    %dma_wait3A_360 = arith.constant 13 : i32
    %dma_wait3A_361 = arith.constant 13 : i32
    %dma_wait3A_362 = arith.constant 0 : i32
    %dma_wait3A_363 = tpu.memref_slice %arg9[%dma_wait3A_361, %dma_wait3A_362] : memref<16x128xf32, #tpu.memory_space<vmem>> -> memref<1x128xf32, #tpu.memory_space<vmem>>
    %dma_wait3A_364 = tpu.memref_squeeze %dma_wait3A_363 : memref<1x128xf32, #tpu.memory_space<vmem>> -> memref<128xf32, #tpu.memory_space<vmem>>
    %dma_wait3A_365 = arith.constant 0 : i32
    %dma_wait3A_366 = tpu.memref_slice %arg8[%dma_wait3A_360, %dma_wait3A_365] : memref<16x128xi32, #tpu.memory_space<vmem>> -> memref<1x128xi32, #tpu.memory_space<vmem>>
    %dma_wait3A_367 = tpu.memref_squeeze %dma_wait3A_366 : memref<1x128xi32, #tpu.memory_space<vmem>> -> memref<128xi32, #tpu.memory_space<vmem>>
    %dma_wait3A_368 = arith.constant 0 : i32
    %dma_wait3A_369 = tpu.memref_slice %arg5[%dma_wait3A_368] : memref<1600000xf32, #tpu.memory_space<hbm>> -> memref<1600000xf32, #tpu.memory_space<hbm>>
    tpu.wait_indirect_dma semaphore(%arg14 : memref<!tpu.dma_semaphore, #tpu.memory_space<semaphore_mem>>) src(%dma_wait3A_369 : memref<1600000xf32, #tpu.memory_space<hbm>>) dst(%dma_wait3A_364 : memref<128xf32, #tpu.memory_space<vmem>>)
    %dma_wait3A_370 = arith.constant 14 : i32
    %dma_wait3A_371 = arith.constant 14 : i32
    %dma_wait3A_372 = arith.constant 0 : i32
    %dma_wait3A_373 = tpu.memref_slice %arg9[%dma_wait3A_371, %dma_wait3A_372] : memref<16x128xf32, #tpu.memory_space<vmem>> -> memref<1x128xf32, #tpu.memory_space<vmem>>
    %dma_wait3A_374 = tpu.memref_squeeze %dma_wait3A_373 : memref<1x128xf32, #tpu.memory_space<vmem>> -> memref<128xf32, #tpu.memory_space<vmem>>
    %dma_wait3A_375 = arith.constant 0 : i32
    %dma_wait3A_376 = tpu.memref_slice %arg8[%dma_wait3A_370, %dma_wait3A_375] : memref<16x128xi32, #tpu.memory_space<vmem>> -> memref<1x128xi32, #tpu.memory_space<vmem>>
    %dma_wait3A_377 = tpu.memref_squeeze %dma_wait3A_376 : memref<1x128xi32, #tpu.memory_space<vmem>> -> memref<128xi32, #tpu.memory_space<vmem>>
    %dma_wait3A_378 = arith.constant 0 : i32
    %dma_wait3A_379 = tpu.memref_slice %arg5[%dma_wait3A_378] : memref<1600000xf32, #tpu.memory_space<hbm>> -> memref<1600000xf32, #tpu.memory_space<hbm>>
    tpu.wait_indirect_dma semaphore(%arg14 : memref<!tpu.dma_semaphore, #tpu.memory_space<semaphore_mem>>) src(%dma_wait3A_379 : memref<1600000xf32, #tpu.memory_space<hbm>>) dst(%dma_wait3A_374 : memref<128xf32, #tpu.memory_space<vmem>>)
    %dma_wait3A_380 = arith.constant 15 : i32
    %dma_wait3A_381 = arith.constant 15 : i32
    %dma_wait3A_382 = arith.constant 0 : i32
    %dma_wait3A_383 = tpu.memref_slice %arg9[%dma_wait3A_381, %dma_wait3A_382] : memref<16x128xf32, #tpu.memory_space<vmem>> -> memref<1x128xf32, #tpu.memory_space<vmem>>
    %dma_wait3A_384 = tpu.memref_squeeze %dma_wait3A_383 : memref<1x128xf32, #tpu.memory_space<vmem>> -> memref<128xf32, #tpu.memory_space<vmem>>
    %dma_wait3A_385 = arith.constant 0 : i32
    %dma_wait3A_386 = tpu.memref_slice %arg8[%dma_wait3A_380, %dma_wait3A_385] : memref<16x128xi32, #tpu.memory_space<vmem>> -> memref<1x128xi32, #tpu.memory_space<vmem>>
    %dma_wait3A_387 = tpu.memref_squeeze %dma_wait3A_386 : memref<1x128xi32, #tpu.memory_space<vmem>> -> memref<128xi32, #tpu.memory_space<vmem>>
    %dma_wait3A_388 = arith.constant 0 : i32
    %dma_wait3A_389 = tpu.memref_slice %arg5[%dma_wait3A_388] : memref<1600000xf32, #tpu.memory_space<hbm>> -> memref<1600000xf32, #tpu.memory_space<hbm>>
    tpu.wait_indirect_dma semaphore(%arg14 : memref<!tpu.dma_semaphore, #tpu.memory_space<semaphore_mem>>) src(%dma_wait3A_389 : memref<1600000xf32, #tpu.memory_space<hbm>>) dst(%dma_wait3A_384 : memref<128xf32, #tpu.memory_space<vmem>>)
    %get3A_390 = arith.constant 0 : index
    %get3A_391 = tpu.vector_load %arg12[%get3A_390] {strides = array<i32>} : memref<256xf32, #tpu.memory_space<vmem>>, vector<16xf32>,
    %get3A_392 = arith.constant 16 : index
    %get3A_393 = tpu.vector_load %arg12[%get3A_392] {strides = array<i32>} : memref<256xf32, #tpu.memory_space<vmem>>, vector<16xf32>,
    %get3A_394 = arith.constant 32 : index
    %get3A_395 = tpu.vector_load %arg12[%get3A_394] {strides = array<i32>} : memref<256xf32, #tpu.memory_space<vmem>>, vector<16xf32>,
    %get3A_396 = arith.constant 48 : index
    %get3A_397 = tpu.vector_load %arg12[%get3A_396] {strides = array<i32>} : memref<256xf32, #tpu.memory_space<vmem>>, vector<16xf32>,
    %get3A_398 = arith.constant 64 : index
    %get3A_399 = tpu.vector_load %arg12[%get3A_398] {strides = array<i32>} : memref<256xf32, #tpu.memory_space<vmem>>, vector<16xf32>,
    %get3A_400 = arith.constant 80 : index
    %get3A_401 = tpu.vector_load %arg12[%get3A_400] {strides = array<i32>} : memref<256xf32, #tpu.memory_space<vmem>>, vector<16xf32>,
    %get3A_402 = arith.constant 96 : index
    %get3A_403 = tpu.vector_load %arg12[%get3A_402] {strides = array<i32>} : memref<256xf32, #tpu.memory_space<vmem>>, vector<16xf32>,
    %get3A_404 = arith.constant 112 : index
    %get3A_405 = tpu.vector_load %arg12[%get3A_404] {strides = array<i32>} : memref<256xf32, #tpu.memory_space<vmem>>, vector<16xf32>,
    %get3A_406 = arith.constant 128 : index
    %get3A_407 = tpu.vector_load %arg12[%get3A_406] {strides = array<i32>} : memref<256xf32, #tpu.memory_space<vmem>>, vector<16xf32>,
    %get3A_408 = arith.constant 144 : index
    %get3A_409 = tpu.vector_load %arg12[%get3A_408] {strides = array<i32>} : memref<256xf32, #tpu.memory_space<vmem>>, vector<16xf32>,
    %get3A_410 = arith.constant 160 : index
    %get3A_411 = tpu.vector_load %arg12[%get3A_410] {strides = array<i32>} : memref<256xf32, #tpu.memory_space<vmem>>, vector<16xf32>,
    %get3A_412 = arith.constant 176 : index
    %get3A_413 = tpu.vector_load %arg12[%get3A_412] {strides = array<i32>} : memref<256xf32, #tpu.memory_space<vmem>>, vector<16xf32>,
    %get3A_414 = arith.constant 192 : index
    %get3A_415 = tpu.vector_load %arg12[%get3A_414] {strides = array<i32>} : memref<256xf32, #tpu.memory_space<vmem>>, vector<16xf32>,
    %get3A_416 = arith.constant 208 : index
    %get3A_417 = tpu.vector_load %arg12[%get3A_416] {strides = array<i32>} : memref<256xf32, #tpu.memory_space<vmem>>, vector<16xf32>,
    %get3A_418 = arith.constant 224 : index
    %get3A_419 = tpu.vector_load %arg12[%get3A_418] {strides = array<i32>} : memref<256xf32, #tpu.memory_space<vmem>>, vector<16xf32>,
    %get3A_420 = arith.constant 240 : index
    %get3A_421 = tpu.vector_load %arg12[%get3A_420] {strides = array<i32>} : memref<256xf32, #tpu.memory_space<vmem>>, vector<16xf32>,
    %scan3A_422 = arith.constant 0 : i32
    %scan3A_423 = arith.constant 0 : i32
    %scan3A_424 = arith.constant 8 : i32
    %scan3A_425 = arith.addi %scan3A_423, %scan3A_424 : i32
    %scan3A_426 = arith.constant 1 : i32
    scf.for %scan3A_428 = %scan3A_423 to %scan3A_425 step %scan3A_426  : i32 {
      %mul3A_429 = arith.constant 16 : i32
      %mul3A_430 = arith.muli %scan3A_428, %mul3A_429 : i32
      %multiple_of3A = tpu.assume_multiple %mul3A_430, 16 : i32
      %get3A_431 = arith.index_cast %multiple_of3A : i32 to index
      %get3A_432 = tpu.vector_load %arg10[%get3A_431] {strides = array<i32>} : memref<128xf32, #tpu.memory_space<vmem>>, vector<16xf32>,
      %exp3A = math.exp %get3A_432 : vector<16xf32>
      %get3A_433 = arith.constant 0 : i32
      %get3A_434 = arith.index_cast %get3A_433 : i32 to index
      %get3A_435 = arith.index_cast %multiple_of3A : i32 to index
      %get3A_436 = tpu.vector_load %arg9[%get3A_434, %get3A_435] {strides = array<i32>} : memref<16x128xf32, #tpu.memory_space<vmem>>, vector<16xf32>,
      %add3A_437 = arith.addf %get3A_391, %get3A_436 : vector<16xf32>
      %exp3A_438 = math.exp %add3A_437 : vector<16xf32>
      %add3A_439 = arith.constant 1.000000e+00 : f32
      %add3A_440 = vector.broadcast %add3A_439 : f32 to vector<16xf32>
      %add3A_441 = arith.addf %add3A_440, %exp3A_438 : vector<16xf32>
      %mul3A_442 = arith.mulf %exp3A, %add3A_441 : vector<16xf32>
      %get3A_443 = arith.constant 1 : i32
      %get3A_444 = arith.index_cast %get3A_443 : i32 to index
      %get3A_445 = arith.index_cast %multiple_of3A : i32 to index
      %get3A_446 = tpu.vector_load %arg9[%get3A_444, %get3A_445] {strides = array<i32>} : memref<16x128xf32, #tpu.memory_space<vmem>>, vector<16xf32>,
      %add3A_447 = arith.addf %get3A_393, %get3A_446 : vector<16xf32>
      %exp3A_448 = math.exp %add3A_447 : vector<16xf32>
      %add3A_449 = arith.constant 1.000000e+00 : f32
      %add3A_450 = vector.broadcast %add3A_449 : f32 to vector<16xf32>
      %add3A_451 = arith.addf %add3A_450, %exp3A_448 : vector<16xf32>
      %mul3A_452 = arith.mulf %mul3A_442, %add3A_451 : vector<16xf32>
      %get3A_453 = arith.constant 2 : i32
      %get3A_454 = arith.index_cast %get3A_453 : i32 to index
      %get3A_455 = arith.index_cast %multiple_of3A : i32 to index
      %get3A_456 = tpu.vector_load %arg9[%get3A_454, %get3A_455] {strides = array<i32>} : memref<16x128xf32, #tpu.memory_space<vmem>>, vector<16xf32>,
      %add3A_457 = arith.addf %get3A_395, %get3A_456 : vector<16xf32>
      %exp3A_458 = math.exp %add3A_457 : vector<16xf32>
      %add3A_459 = arith.constant 1.000000e+00 : f32
      %add3A_460 = vector.broadcast %add3A_459 : f32 to vector<16xf32>
      %add3A_461 = arith.addf %add3A_460, %exp3A_458 : vector<16xf32>
      %mul3A_462 = arith.mulf %mul3A_452, %add3A_461 : vector<16xf32>
      %get3A_463 = arith.constant 3 : i32
      %get3A_464 = arith.index_cast %get3A_463 : i32 to index
      %get3A_465 = arith.index_cast %multiple_of3A : i32 to index
      %get3A_466 = tpu.vector_load %arg9[%get3A_464, %get3A_465] {strides = array<i32>} : memref<16x128xf32, #tpu.memory_space<vmem>>, vector<16xf32>,
      %add3A_467 = arith.addf %get3A_397, %get3A_466 : vector<16xf32>
      %exp3A_468 = math.exp %add3A_467 : vector<16xf32>
      %add3A_469 = arith.constant 1.000000e+00 : f32
      %add3A_470 = vector.broadcast %add3A_469 : f32 to vector<16xf32>
      %add3A_471 = arith.addf %add3A_470, %exp3A_468 : vector<16xf32>
      %mul3A_472 = arith.mulf %mul3A_462, %add3A_471 : vector<16xf32>
      %get3A_473 = arith.constant 4 : i32
      %get3A_474 = arith.index_cast %get3A_473 : i32 to index
      %get3A_475 = arith.index_cast %multiple_of3A : i32 to index
      %get3A_476 = tpu.vector_load %arg9[%get3A_474, %get3A_475] {strides = array<i32>} : memref<16x128xf32, #tpu.memory_space<vmem>>, vector<16xf32>,
      %add3A_477 = arith.addf %get3A_399, %get3A_476 : vector<16xf32>
      %exp3A_478 = math.exp %add3A_477 : vector<16xf32>
      %add3A_479 = arith.constant 1.000000e+00 : f32
      %add3A_480 = vector.broadcast %add3A_479 : f32 to vector<16xf32>
      %add3A_481 = arith.addf %add3A_480, %exp3A_478 : vector<16xf32>
      %mul3A_482 = arith.mulf %mul3A_472, %add3A_481 : vector<16xf32>
      %get3A_483 = arith.constant 5 : i32
      %get3A_484 = arith.index_cast %get3A_483 : i32 to index
      %get3A_485 = arith.index_cast %multiple_of3A : i32 to index
      %get3A_486 = tpu.vector_load %arg9[%get3A_484, %get3A_485] {strides = array<i32>} : memref<16x128xf32, #tpu.memory_space<vmem>>, vector<16xf32>,
      %add3A_487 = arith.addf %get3A_401, %get3A_486 : vector<16xf32>
      %exp3A_488 = math.exp %add3A_487 : vector<16xf32>
      %add3A_489 = arith.constant 1.000000e+00 : f32
      %add3A_490 = vector.broadcast %add3A_489 : f32 to vector<16xf32>
      %add3A_491 = arith.addf %add3A_490, %exp3A_488 : vector<16xf32>
      %mul3A_492 = arith.mulf %mul3A_482, %add3A_491 : vector<16xf32>
      %get3A_493 = arith.constant 6 : i32
      %get3A_494 = arith.index_cast %get3A_493 : i32 to index
      %get3A_495 = arith.index_cast %multiple_of3A : i32 to index
      %get3A_496 = tpu.vector_load %arg9[%get3A_494, %get3A_495] {strides = array<i32>} : memref<16x128xf32, #tpu.memory_space<vmem>>, vector<16xf32>,
      %add3A_497 = arith.addf %get3A_403, %get3A_496 : vector<16xf32>
      %exp3A_498 = math.exp %add3A_497 : vector<16xf32>
      %add3A_499 = arith.constant 1.000000e+00 : f32
      %add3A_500 = vector.broadcast %add3A_499 : f32 to vector<16xf32>
      %add3A_501 = arith.addf %add3A_500, %exp3A_498 : vector<16xf32>
      %mul3A_502 = arith.mulf %mul3A_492, %add3A_501 : vector<16xf32>
      %get3A_503 = arith.constant 7 : i32
      %get3A_504 = arith.index_cast %get3A_503 : i32 to index
      %get3A_505 = arith.index_cast %multiple_of3A : i32 to index
      %get3A_506 = tpu.vector_load %arg9[%get3A_504, %get3A_505] {strides = array<i32>} : memref<16x128xf32, #tpu.memory_space<vmem>>, vector<16xf32>,
      %add3A_507 = arith.addf %get3A_405, %get3A_506 : vector<16xf32>
      %exp3A_508 = math.exp %add3A_507 : vector<16xf32>
      %add3A_509 = arith.constant 1.000000e+00 : f32
      %add3A_510 = vector.broadcast %add3A_509 : f32 to vector<16xf32>
      %add3A_511 = arith.addf %add3A_510, %exp3A_508 : vector<16xf32>
      %mul3A_512 = arith.mulf %mul3A_502, %add3A_511 : vector<16xf32>
      %get3A_513 = arith.constant 8 : i32
      %get3A_514 = arith.index_cast %get3A_513 : i32 to index
      %get3A_515 = arith.index_cast %multiple_of3A : i32 to index
      %get3A_516 = tpu.vector_load %arg9[%get3A_514, %get3A_515] {strides = array<i32>} : memref<16x128xf32, #tpu.memory_space<vmem>>, vector<16xf32>,
      %add3A_517 = arith.addf %get3A_407, %get3A_516 : vector<16xf32>
      %exp3A_518 = math.exp %add3A_517 : vector<16xf32>
      %add3A_519 = arith.constant 1.000000e+00 : f32
      %add3A_520 = vector.broadcast %add3A_519 : f32 to vector<16xf32>
      %add3A_521 = arith.addf %add3A_520, %exp3A_518 : vector<16xf32>
      %mul3A_522 = arith.mulf %mul3A_512, %add3A_521 : vector<16xf32>
      %get3A_523 = arith.constant 9 : i32
      %get3A_524 = arith.index_cast %get3A_523 : i32 to index
      %get3A_525 = arith.index_cast %multiple_of3A : i32 to index
      %get3A_526 = tpu.vector_load %arg9[%get3A_524, %get3A_525] {strides = array<i32>} : memref<16x128xf32, #tpu.memory_space<vmem>>, vector<16xf32>,
      %add3A_527 = arith.addf %get3A_409, %get3A_526 : vector<16xf32>
      %exp3A_528 = math.exp %add3A_527 : vector<16xf32>
      %add3A_529 = arith.constant 1.000000e+00 : f32
      %add3A_530 = vector.broadcast %add3A_529 : f32 to vector<16xf32>
      %add3A_531 = arith.addf %add3A_530, %exp3A_528 : vector<16xf32>
      %mul3A_532 = arith.mulf %mul3A_522, %add3A_531 : vector<16xf32>
      %get3A_533 = arith.constant 10 : i32
      %get3A_534 = arith.index_cast %get3A_533 : i32 to index
      %get3A_535 = arith.index_cast %multiple_of3A : i32 to index
      %get3A_536 = tpu.vector_load %arg9[%get3A_534, %get3A_535] {strides = array<i32>} : memref<16x128xf32, #tpu.memory_space<vmem>>, vector<16xf32>,
      %add3A_537 = arith.addf %get3A_411, %get3A_536 : vector<16xf32>
      %exp3A_538 = math.exp %add3A_537 : vector<16xf32>
      %add3A_539 = arith.constant 1.000000e+00 : f32
      %add3A_540 = vector.broadcast %add3A_539 : f32 to vector<16xf32>
      %add3A_541 = arith.addf %add3A_540, %exp3A_538 : vector<16xf32>
      %mul3A_542 = arith.mulf %mul3A_532, %add3A_541 : vector<16xf32>
      %get3A_543 = arith.constant 11 : i32
      %get3A_544 = arith.index_cast %get3A_543 : i32 to index
      %get3A_545 = arith.index_cast %multiple_of3A : i32 to index
      %get3A_546 = tpu.vector_load %arg9[%get3A_544, %get3A_545] {strides = array<i32>} : memref<16x128xf32, #tpu.memory_space<vmem>>, vector<16xf32>,
      %add3A_547 = arith.addf %get3A_413, %get3A_546 : vector<16xf32>
      %exp3A_548 = math.exp %add3A_547 : vector<16xf32>
      %add3A_549 = arith.constant 1.000000e+00 : f32
      %add3A_550 = vector.broadcast %add3A_549 : f32 to vector<16xf32>
      %add3A_551 = arith.addf %add3A_550, %exp3A_548 : vector<16xf32>
      %mul3A_552 = arith.mulf %mul3A_542, %add3A_551 : vector<16xf32>
      %get3A_553 = arith.constant 12 : i32
      %get3A_554 = arith.index_cast %get3A_553 : i32 to index
      %get3A_555 = arith.index_cast %multiple_of3A : i32 to index
      %get3A_556 = tpu.vector_load %arg9[%get3A_554, %get3A_555] {strides = array<i32>} : memref<16x128xf32, #tpu.memory_space<vmem>>, vector<16xf32>,
      %add3A_557 = arith.addf %get3A_415, %get3A_556 : vector<16xf32>
      %exp3A_558 = math.exp %add3A_557 : vector<16xf32>
      %add3A_559 = arith.constant 1.000000e+00 : f32
      %add3A_560 = vector.broadcast %add3A_559 : f32 to vector<16xf32>
      %add3A_561 = arith.addf %add3A_560, %exp3A_558 : vector<16xf32>
      %mul3A_562 = arith.mulf %mul3A_552, %add3A_561 : vector<16xf32>
      %get3A_563 = arith.constant 13 : i32
      %get3A_564 = arith.index_cast %get3A_563 : i32 to index
      %get3A_565 = arith.index_cast %multiple_of3A : i32 to index
      %get3A_566 = tpu.vector_load %arg9[%get3A_564, %get3A_565] {strides = array<i32>} : memref<16x128xf32, #tpu.memory_space<vmem>>, vector<16xf32>,
      %add3A_567 = arith.addf %get3A_417, %get3A_566 : vector<16xf32>
      %exp3A_568 = math.exp %add3A_567 : vector<16xf32>
      %add3A_569 = arith.constant 1.000000e+00 : f32
      %add3A_570 = vector.broadcast %add3A_569 : f32 to vector<16xf32>
      %add3A_571 = arith.addf %add3A_570, %exp3A_568 : vector<16xf32>
      %mul3A_572 = arith.mulf %mul3A_562, %add3A_571 : vector<16xf32>
      %get3A_573 = arith.constant 14 : i32
      %get3A_574 = arith.index_cast %get3A_573 : i32 to index
      %get3A_575 = arith.index_cast %multiple_of3A : i32 to index
      %get3A_576 = tpu.vector_load %arg9[%get3A_574, %get3A_575] {strides = array<i32>} : memref<16x128xf32, #tpu.memory_space<vmem>>, vector<16xf32>,
      %add3A_577 = arith.addf %get3A_419, %get3A_576 : vector<16xf32>
      %exp3A_578 = math.exp %add3A_577 : vector<16xf32>
      %add3A_579 = arith.constant 1.000000e+00 : f32
      %add3A_580 = vector.broadcast %add3A_579 : f32 to vector<16xf32>
      %add3A_581 = arith.addf %add3A_580, %exp3A_578 : vector<16xf32>
      %mul3A_582 = arith.mulf %mul3A_572, %add3A_581 : vector<16xf32>
      %get3A_583 = arith.constant 15 : i32
      %get3A_584 = arith.index_cast %get3A_583 : i32 to index
      %get3A_585 = arith.index_cast %multiple_of3A : i32 to index
      %get3A_586 = tpu.vector_load %arg9[%get3A_584, %get3A_585] {strides = array<i32>} : memref<16x128xf32, #tpu.memory_space<vmem>>, vector<16xf32>,
      %add3A_587 = arith.addf %get3A_421, %get3A_586 : vector<16xf32>
      %exp3A_588 = math.exp %add3A_587 : vector<16xf32>
      %add3A_589 = arith.constant 1.000000e+00 : f32
      %add3A_590 = vector.broadcast %add3A_589 : f32 to vector<16xf32>
      %add3A_591 = arith.addf %add3A_590, %exp3A_588 : vector<16xf32>
      %mul3A_592 = arith.mulf %mul3A_582, %add3A_591 : vector<16xf32>
      %swap3A = arith.index_cast %multiple_of3A : i32 to index
      %swap3A_593 = tpu.vector_load %arg13[%swap3A] {strides = array<i32>} : memref<128xf32, #tpu.memory_space<vmem>>, vector<16xf32>,
      tpu.vector_store %arg13[%swap3A], %mul3A_592 {strides = array<i32>} : memref<128xf32, #tpu.memory_space<vmem>>, vector<16xf32>,
    }
    %scan3A_427 = arith.constant 8 : i32
    "tpu.region"() ({
      %run_scoped3A = tpu.sem_alloc : memref<!tpu.dma_semaphore, #tpu.memory_space<semaphore_mem>>
      %dma_start3A_428 = tpu.memref_slice %arg6[%mul3A_2] : memref<4096xf32, #tpu.memory_space<hbm>> -> memref<128xf32, #tpu.memory_space<hbm>>
      %dma_start3A_429 = tpu.memref_slice %arg6[%mul3A_2] : memref<4096xf32, #tpu.memory_space<hbm>> -> memref<128xf32, #tpu.memory_space<hbm>>
      tpu.enqueue_dma source(%arg13 : memref<128xf32, #tpu.memory_space<vmem>>) target(%dma_start3A_429 : memref<128xf32, #tpu.memory_space<hbm>>) target_semaphore(%run_scoped3A : memref<!tpu.dma_semaphore, #tpu.memory_space<semaphore_mem>>)
      %dma_wait3A_430 = tpu.memref_slice %arg6[%mul3A_2] : memref<4096xf32, #tpu.memory_space<hbm>> -> memref<128xf32, #tpu.memory_space<hbm>>
      %dma_wait3A_431 = tpu.memref_slice %arg6[%mul3A_2] : memref<4096xf32, #tpu.memory_space<hbm>> -> memref<128xf32, #tpu.memory_space<hbm>>
      tpu.wait_dma2 semaphore(%run_scoped3A : memref<!tpu.dma_semaphore, #tpu.memory_space<semaphore_mem>>) src(%arg13 : memref<128xf32, #tpu.memory_space<vmem>>) dst(%dma_wait3A_431 : memref<128xf32, #tpu.memory_space<hbm>>)
      tpu.yield
    }) : () -> ()
    return
  }
}

</mosaic_0001>

<sc_bundles>
// kernel: kernel.3.cloned.1.call-start
scs
__scs_entry_jumppad:
0x0: {  	(pc) =	sbr.rel $0x88, $3  }
0x1: {  	(tag) =	ssettag $0x0;
	lr =	simm.s32 $0x1  }
0x2: {  	[smem:$0x3F9D] =	sst lr;
	_ =	strace $0xD0000000  }
0x3: {  	_ = 	snop  }
0x4: {  	_ = 	snop  }
0x5: {  	_ = 	snop  }
0x6: {  	_ = 	snop  }
0x7: {  	_ = 	snop  }
__scs_overlays_trampoline_lowered:
0x8: {  	[smem:$0x3FAC] =	sst s0  }
0x9: {  	[smem:$0x3FAD] =	sst s1  }
0xa: {  	[smem:$0x3FAE] =	sst s2  }
0xb: {  	[smem:$0x3FAF] =	sst s3  }
0xc: {  	[smem:$0x3FB0] =	sst s4  }
0xd: {  	[smem:$0x3FB1] =	sst s5  }
0xe: {  	[smem:$0x3FB2] =	sst s6  }
0xf: {  	[smem:$0x3FB3] =	sst s7  }
0x10: {  	[smem:$0x3FB4] =	sst s8  }
0x11: {  	[smem:$0x3FB5] =	sst s9;
	s0 =	simm.s32 @!p0 $0x0  }
0x12: {  	s1 =	sld [smem:$0x3F9B];
	s0 =	simm.s32 @p0 $0x1  }
0x13: {  	[smem:$0x3FB6] =	sst s0;
	s0 =	simm.s32 @!p1 $0x0  }
0x14: {  	s2 =	sld [smem:$0x3F9A];
	s0 =	simm.s32 @p1 $0x1  }
0x15: {  	[smem:$0x3FB7] =	sst s0;
	s0 =	simm.s32 @!p2 $0x0  }
0x16: {  	s3 =	sld [smem:$0x3FDB];
	s0 =	simm.s32 @p2 $0x1  }
0x17: {  	s4 =	simm.s32 $0x1BF5;
	[smem:$0x3FB9] =	sst s0  }
0x18: {  	s0 =	sld [smem:$0x3F9C];
	_ =	swait.ge [sflag:s4], $0x0  }
0x19: {  	s7 =	sld [smem:$0x3F9D]  }
0x1a: {  	s8 =	sadd.s32 $0xFFFFE003, lr  }
0x1b: {  	s9 =	sadd.s32 $0xFFFFFEF7, lr;
	s5 =	simm.s32 $0xFFFFFFFF;
	p2 =	slt.u32 s8, $0xFFFFF086  }
0x1c: {  	p1 =	slt.u32 s9, $0xF7A;
	s5 =	simm.s32 @!p2 $0x0  }
0x1d: {  	s5 =	simm.s32 @p1 $0x1;
	p0 =	seq.s32 s7, s2  }
0x1e: {  	s7 =	smul.u32 @!p0 $0xF7A, s2;
	p2 =	seq.s32 @!p0 s5, $0x0  }
0x1f: {  	s9 =	smul.u32 $0xF7A, s1;
	s8 =	simm.s32 @!p0 $0x1BF5;
	p2 =	por !p2, p0  }
0x20: {  	[sflag:s8] =	ssyncset.s32 @!p0 $0xFFFFF086;
	s6 =	sadd.s32 @!p0 s3, s7;
	s7 =	simm.s32 @!p0 $0x108  }
0x21: {  	s3 =	sadd.s32 s3, s9;
	s6 =	sadd.s32 @!p0 $0x88, s6;
	s7 =	simm.s32 @p2 $0x1082  }
0x22: {  	[simem:s7], [sflag:s8] =	dma.local @!p0 [hbm:s6], $0xF7A  }
0x23: {  	s9 =	sor.u32 $0xD0000000, s2;
	s6 =	simm.s32 $0x108;
	_ =	swait.ge @!p0 [sflag:s8], $0x0  }
0x24: {  	s3 =	sadd.s32 $0x88, s3;
	s6 =	simm.s32 @!p1 $0x1082;
	[sflag:s4] =	ssyncset.s32 $0xFFFFF086  }
0x25: {  	[simem:s6], [sflag:s4] =	dma.local [hbm:s3], $0xF7A  }
0x26: {  	[smem:$0x3F9D] =	sst s1;
	(tag) =	ssettag s2;
	_ =	strace s9  }
0x27: {  	s1 =	sld [smem:$0x3FAD]  }
0x28: {  	s2 =	sld [smem:$0x3FAE]  }
0x29: {  	s4 =	sld [smem:$0x3FB0]  }
0x2a: {  	p0 =	seq.s32 s5, $0x0;
	s5 =	sld [smem:$0x3FB1]  }
0x2b: {  	s6 =	sld [smem:$0x3FB2]  }
0x2c: {  	s7 =	sld [smem:$0x3FB3]  }
0x2d: {  	s3 =	simm.s32 $0x108;
	s8 =	sld [smem:$0x3FB4]  }
0x2e: {  	s3 =	simm.s32 @!p0 $0x1082;
	s9 =	sld [smem:$0x3FB5]  }
0x2f: {  	lr =	sadd.s32 s0, s3;
	s0 =	sld [smem:$0x3FAC]  }
0x30: {  	s3 =	sld [smem:$0x3FAF]  }
0x31: {  	[smem:$0x3FB8] =	sst s10  }
0x32: {  	s10 =	sld [smem:$0x3FB6];
	_ =	sdelay $0x3  }
0x33: {  	p0 =	seq.s32 s10, $0x1;
	s10 =	sld [smem:$0x3FB8];
	_ =	sdelay $0x3  }
0x34: {  	[smem:$0x3FB8] =	sst s10  }
0x35: {  	s10 =	sld [smem:$0x3FB7];
	_ =	sdelay $0x3  }
0x36: {  	p1 =	seq.s32 s10, $0x1;
	s10 =	sld [smem:$0x3FB8];
	_ =	sdelay $0x3  }
0x37: {  	[smem:$0x3FB8] =	sst s10  }
0x38: {  	s10 =	sld [smem:$0x3FB9]  }
0x39: {  	_ = 	snop;
	(pc) =	sbr.ind lr, $3  }
0x3a: {  	_ = 	snop  }
0x3b: {  	_ = 	snop  }
0x3c: {  	p2 =	seq.s32 s10, $0x1;
	s10 =	sld [smem:$0x3FB8]  }
0x3d: {  	_ =	shalt  }
0x3e: {  	_ =	shalt  }
0x3f: {  	_ =	shalt  }
0x40: {  	_ =	shalt  }
0x41: {  	_ =	shalt  }
0x42: {  	_ =	shalt  }
0x43: {  	_ =	shalt  }
0x44: {  	_ =	shalt  }
0x45: {  	_ =	shalt  }
0x46: {  	_ =	shalt  }
0x47: {  	_ =	shalt  }
0x48: {  	_ =	shalt  }
0x49: {  	_ =	shalt  }
0x4a: {  	_ =	shalt  }
0x4b: {  	_ =	shalt  }
0x4c: {  	_ =	shalt  }
0x4d: {  	_ =	shalt  }
0x4e: {  	_ =	shalt  }
0x4f: {  	_ =	shalt  }
0x50: {  	_ =	shalt  }
0x51: {  	_ =	shalt  }
0x52: {  	_ =	shalt  }
0x53: {  	_ =	shalt  }
0x54: {  	_ =	shalt  }
0x55: {  	_ =	shalt  }
0x56: {  	_ =	shalt  }
0x57: {  	_ =	shalt  }
0x58: {  	_ =	shalt  }
0x59: {  	_ =	shalt  }
0x5a: {  	_ =	shalt  }
0x5b: {  	_ =	shalt  }
0x5c: {  	_ =	shalt  }
0x5d: {  	_ =	shalt  }
0x5e: {  	_ =	shalt  }
0x5f: {  	_ =	shalt  }
0x60: {  	_ =	shalt  }
0x61: {  	_ =	shalt  }
0x62: {  	_ =	shalt  }
0x63: {  	_ =	shalt  }
0x64: {  	_ =	shalt  }
0x65: {  	_ =	shalt  }
0x66: {  	_ =	shalt  }
0x67: {  	_ =	shalt  }
0x68: {  	_ =	shalt  }
0x69: {  	_ =	shalt  }
0x6a: {  	_ =	shalt  }
0x6b: {  	_ =	shalt  }
0x6c: {  	_ =	shalt  }
0x6d: {  	_ =	shalt  }
0x6e: {  	_ =	shalt  }
0x6f: {  	_ =	shalt  }
0x70: {  	_ =	shalt  }
0x71: {  	_ =	shalt  }
0x72: {  	_ =	shalt  }
0x73: {  	_ =	shalt  }
0x74: {  	_ =	shalt  }
0x75: {  	_ =	shalt  }
0x76: {  	_ =	shalt  }
0x77: {  	_ =	shalt  }
0x78: {  	_ =	shalt  }
0x79: {  	_ =	shalt  }
0x7a: {  	_ =	shalt  }
0x7b: {  	_ =	shalt  }
0x7c: {  	_ =	shalt  }
0x7d: {  	_ =	shalt  }
0x7e: {  	_ =	shalt  }
0x7f: {  	_ =	shalt  }
0x80: {  	_ =	shalt  }
0x81: {  	_ =	shalt  }
0x82: {  	_ =	shalt  }
0x83: {  	_ =	shalt  }
0x84: {  	_ =	shalt  }
0x85: {  	_ =	shalt  }
0x86: {  	_ =	shalt  }
0x87: {  	_ =	shalt  }
.Lfunc_end0:
.L_simem_size_0:
called_computation_lowered:
.L_overlay_start_0:
0x88: {  	s2 =	sld [smem:$0x3FD9]  }
0x89: {  	s3 =	sld [smem:$0x3FFE];
	_ =	sdelay $0x1  }
0x8a: {  	s1 =	srdreg.scid  }
0x8b: {  	s0 =	sand.u32 $0x1, s1  }
0x8c: {  	s17 =	sshll.u32 s0, $0xA;
	s2 =	sadd.s32 s3, s2  }
0x8d: {  	s2 =	sadd.s32 s2, s17  }
0x8e: {  	[smem:$0x3FC4] =	sst s2  }
0x8f: {  	_ = 	snop  }
0x90: {  	s2 =	sld [smem:$0x3FC9]  }
0x91: {  	s18 =	sld [smem:$0x3FC8]  }
0x92: {  	s4 =	sld [smem:$0x3FC7]  }
0x93: {  	s5 =	sld [smem:$0x3FD0];
	(tm) =	ssettm $0x1  }
0x94: {  	s6 =	sld [smem:$0x3FFB];
	_ =	sdelay $0x3  }
0x95: {  	_ =	strace s6  }
0x96: {  	s6 =	sld [smem:$0x3FFC];
	_ =	sdelay $0x3  }
0x97: {  	_ =	strace s6  }
0x98: {  	s6 =	sld [smem:$0x3FFD];
	_ =	sdelay $0x3  }
0x99: {  	_ =	strace s6  }
0x9a: {  	_ =	strace $0x8FFFFFFF  }
0x9b: {  	s19 =	sld [smem:$0x3FDB];
	_ =	sdelay $0x1  }
0x9c: {  	s7 =	simm.s32 $_scs_section_size  }
0x9d: {  	s8 =	simm.s32 $_size__tile_overlayer_lowered;
	s9 =	simm.s32 $_tile_overlayer_lowered  }
0x9e: {  	s22 =	simm.s32 $0x1BFF;
	s21 =	sshll.u32 s9, $0x1;
	s6 =	sadd.s32 s7, s19  }
0x9f: {  	s10 =	simm.s32 $0x0;
	s20 =	sshll.u32 s8, $0x1;
	s8 =	sadd.s32 s21, s6  }
0xa0: {  	[timem:s10], [sflag:s22] =	dma.local [hbm:s8], s20  }
0xa1: {  	_ =	swait.ge [sflag:s22], s20  }
0xa2: {  	s7 =	ssub.s32 $0x0, s20;
	[sflag:s22] =	ssyncset.done $0x0  }
0xa3: {  	[sflag:s22] =	ssyncadd.s32 s7;
	_ =	sdelay $0x1  }
0xa4: {  	s23 =	simm.s32 $0x1B8B  }
0xa5: {  	_ =	swait.ge [sflag:s23], $0x1  }
0xa6: {  	[sflag:s23] =	ssyncset.done $0x0  }
0xa7: {  	s25 =	simm.s32 $0x1B8E;
	s24 =	sld [smem:$0x3FFE];
	[sflag:s23] =	ssyncadd.s32 $0xFFFFFFFF  }
0xa8: {  	s26 =	simm.s32 $execute0_lowered;
	[smem:$0x3FD2] =	sst s25  }
0xa9: {  	s8 =	sshll.u32 s26, $0x1;
	_ =	strace $0x80000046;
	[dreg:$0x1] =	wrdreg $0xFFFFFFFF  }
0xaa: {  	s28 =	simm.s32 $_size_execute0_lowered;
	s6 =	sadd.s32 s6, s8;
	[dreg:$0x0] =	wrdreg $0x0  }
0xab: {  	s8 =	sshll.u32 s28, $0x1;
	[dreg:$0x2] =	wrdreg s6  }
0xac: {  	[dreg:$0x3] =	wrdreg s8  }
0xad: {  	[dreg:$0x4] =	wrdreg $0xC0  }
0xae: {  	_ =	task [dreg:s10], $0x5FFFF  }
0xaf: {  	[dreg:$0x1] =	wrdreg $0xFFFFFFFF  }
0xb0: {  	[dreg:$0x0] =	wrdreg $0x60  }
0xb1: {  	[dreg:$0x2] =	wrdreg s2  }
0xb2: {  	[dreg:$0x3] =	wrdreg s18  }
0xb3: {  	[dreg:$0x4] =	wrdreg s4  }
0xb4: {  	[dreg:$0x5] =	wrdreg s24  }
0xb5: {  	[dreg:$0x6] =	wrdreg s5  }
0xb6: {  	[dreg:$0x7] =	wrdreg $0x9  }
0xb7: {  	_ =	task.clear_ibuf [dreg:s10], $0x8FFFF;
	_ =	strace $0x90000046  }
0xb8: {  	s29 =	simm.s32 $0x9;
	_ =	strace $0x80000048  }
0xb9: {  	_ =	swait.ge [sflag:s29], $0x1  }
0xba: {  	[sflag:s29] =	ssyncadd.s32 $0xFFFFFFFF  }
0xbb: {  	_ =	strace $0x90000048  }
0xbc: {  	_ =	sfence  }
0xbd: {  	s30 =	sld [smem:$0x0];
	_ =	sdelay $0x2  }
0xbe: {  	s31 =	sshll.u32 s1, $0xD;
	s1 =	sshrl.u32 s1, $0x2  }
0xbf: {  	s3 =	sand.u32 $0x4000, s31;
	s1 =	sadd.s32 s1, s30  }
0xc0: {  	s0 =	sor.u32 s3, s0;
	s1 =	sshll.u32 s1, $0x11  }
0xc1: {  	s0 =	sor.u32 s1, s0  }
0xc2: {  	s0 =	sadd.s32 $0x8F2B, s0  }
0xc3: {  	[sflag:s0] =	ssyncadd.remote.s32 $0x1  }
0xc4: {  	_ =	sfence.sel $0xFFFF  }
0xc5: {  	[dreg:$0x0] =	wrdreg $0xFFFFFFFF;
	(pc) =	sbr.abs _section_cstart, $3  }
0xc6: {  	[dreg:$0x1] =	wrdreg $0xFFFFFFFF  }
0xc7: {  	_ =	task.clear_ibuf [dreg:s10], $0x2FFFF;
	_ =	strace $0x9FFFFFFF  }
0xc8: {  	(tm) =	ssettm $0x7FFFFFFF  }
0xc9: {  	_ =	shalt  }
tec
execute0_lowered:
.L_overlay_start_1:
0x0: {  	(tag) =	ssettag $0x1  }
0x1: {  	s0 =	rddreg [dreg:$0x0]  }
0x2: {  	s1 =	rddreg [dreg:$0x3]  }
0x3: {  	s2 =	rddreg [dreg:$0x4];
	s4 =	simm.s32 $0x0;
	s3 =	srdreg.scid  }
0x4: {  	s5 =	stileid.u32;
	s9 =	simm.s32 $0x3;
	[smem:$0x7FF] =	sst s4  }
0x5: {  	s11 =	simm.s32 $0x80;
	v0 =	vimm.f32 $2.000020030e-04;
	s30 =	simm.s32 $0xC80;
	_ =	strace $0x80000047  }
0x6: {  	s31 =	simm.s32 $0x500;
	s10 =	simm.s32 $0xE00;
	s12 =	simm.s32 $0x680;
	(erf) = vrcp.f32 v0  }
0x7: {  	s13 =	simm.s32 $0xE80;
	s14 =	simm.s32 $0x700;
	s15 =	simm.s32 $0xF00  }
0x8: {  	s16 =	simm.s32 $0x780;
	s17 =	simm.s32 $0xF80;
	s18 =	simm.s32 $0x800;
	v0 =	vlaneseq.u32  }
0x9: {  	s19 =	simm.s32 $0x1000;
	s20 =	simm.s32 $0x1110;
	s21 =	simm.s32 $0x2;
	v0 =	vmul.u32 $0x10, v0  }
0xa: {  	s22 =	simm.s32 $0x1;
	s23 =	simm.s32 $0x1210;
	s3 =	sand.u32 $0x1, s3  }
0xb: {  	s5 =	sshll.u32 s5, $0x5;
	s6 =	ssub.s32 $0x2, s3;
	s3 =	sshll.u32 s3, $0x4;
	v1 =	vor.u32 $0x1, v0;
	v2 =	vor.u32 $0x2, v0;
	v3 =	vor.u32 $0x3, v0  }
0xc: {  	s24 =	simm.s32 $0x0;
	s7 =	sshrl.u32 s6, $0x1;
	s3 =	sor.u32 s3, s5;
	v4 =	vor.u32 $0x4, v0;
	v5 =	vor.u32 $0x5, v0;
	v6 =	vor.u32 $0x6, v0  }
0xd: {  	s5 =	sadd.s32 $0x400, s1;
	s1 =	simm.s32 $0xD80;
	s29 =	ssub.s32 s6, s7;
	v7 =	vor.u32 $0x7, v0;
	v8 =	vor.u32 $0x8, v0;
	v9 =	vor.u32 $0x9, v0  }
0xe: {  	s6 =	sadd.s32 s0, s3;
	s7 =	sadd.s32 s2, s3;
	s0 =	simm.s32 $0xD00;
	v10 =	vor.u32 $0xA, v0;
	v11 =	vor.u32 $0xB, v0;
	v12 =	vor.u32 $0xC, v0  }
0xf: {  	s3 =	simm.s32 $0x580;
	s2 =	simm.s32 $0x600;
	s8 =	smax.u32 s29, $0x1;
	v14 =	vor.u32 $0xD, v0;
	v15 =	vor.u32 $0xE, v0;
	v16 =	vor.u32 $0xF, v0;
	v13 =	vpop (erf)  }
.LBB2_1:
0x10: {  	[tilespmem:s4], [sflag:$0x3] =	stream.linear.gather [hbm4b:s6+s4], $0x80, $0x38;
	[tilespmem:$0x1290] =	vst v63  }
0x11: {  	_ =	swait.ge [sflag:s9], $0x80  }
0x12: {  	[sflag:s9] =	ssyncset.done $0x0  }
0x13: {  	[sflag:s9] =	ssyncadd.s32 $0xFFFFFF80  }
0x14: {  	s26 =	simm.s32 $0x1100;
	s25 =	rddreg [dreg:$0x2]  }
0x15: {  	[tilespmem:s26], [sflag:$0x3] =	stream.linear.gather [hbm4b:s25+s4], $0x10, $0x38;
	[tilespmem:$0x1290] =	vst v63  }
0x16: {  	_ =	swait.ge [sflag:s9], $0x10  }
0x17: {  	[sflag:s9] =	ssyncset.done $0x0  }
0x18: {  	s26 =	simm.s32 $0x0;
	[sflag:s9] =	ssyncadd.s32 $0xFFFFFFF0  }
0x19: {  	v17 =	vld [tilespmem:s26+$0x0];
	_ =	sdelay $0x4  }
0x1a: {  	v17 =	vadd.f32 $1.000000000e+01, v17;
	_ =	sdelay $0x1  }
0x1b: {  	v17 =	vmul.f32 v17, v13;
	_ =	sdelay $0x1  }
0x1c: {  	v17 =	vtrunc.f32 v17  }
0x1d: {  	v17 =	vcvt.f32.s32 v17;
	_ =	sdelay $0x1  }
0x1e: {  	vm0 =	vgt.s32 v17, $0x0  }
0x1f: {  	v17 =	vnsel vm0, $0x0, v17  }
0x20: {  	v17 =	vmin.u32 v17, $0x1869F  }
0x21: {  	s25 =	simm.s32 $0x10;
	v18 =	vadd.s32 $0x186A0, v17  }
0x22: {  	v19 =	vld [tilespmem:s25+$0x0];
	v20 =	vadd.s32 $0x16E360, v17;
	[tilespmem:s26+$0x100] =	vst v18  }
0x23: {  	v18 =	vadd.s32 $0x30D40, v17;
	[tilespmem:s26+$0x800] =	vst v20  }
0x24: {  	[tilespmem:s26+$0x180] =	vst v18;
	v18 =	vadd.s32 $0x493E0, v17  }
0x25: {  	[tilespmem:s26+$0x200] =	vst v18;
	v18 =	vadd.s32 $0x61A80, v17  }
0x26: {  	[tilespmem:s26+$0x280] =	vst v18;
	v18 =	vadd.s32 $0x7A120, v17  }
0x27: {  	v19 =	vadd.f32 $1.000000000e+01, v19;
	[tilespmem:s26+$0x300] =	vst v18;
	v18 =	vadd.s32 $0x927C0, v17  }
0x28: {  	[tilespmem:s26+$0x380] =	vst v18;
	v18 =	vadd.s32 $0xAAE60, v17  }
0x29: {  	v19 =	vmul.f32 v19, v13;
	[tilespmem:s26+$0x400] =	vst v18;
	v18 =	vadd.s32 $0xC3500, v17  }
0x2a: {  	[tilespmem:s26+$0x480] =	vst v18;
	v18 =	vadd.s32 $0xDBBA0, v17  }
0x2b: {  	v19 =	vtrunc.f32 v19;
	[tilespmem:s26+$0x500] =	vst v18;
	v18 =	vadd.s32 $0xF4240, v17  }
0x2c: {  	v19 =	vcvt.f32.s32 v19;
	[tilespmem:s26+$0x580] =	vst v18;
	v18 =	vadd.s32 $0x10C8E0, v17  }
0x2d: {  	[tilespmem:s26+$0x600] =	vst v18;
	v18 =	vadd.s32 $0x124F80, v17  }
0x2e: {  	vm15 =	vgt.s32 v19, $0x0;
	[tilespmem:s26+$0x680] =	vst v18;
	v18 =	vadd.s32 $0x13D620, v17  }
0x2f: {  	v19 =	vnsel vm15, $0x0, v19;
	[tilespmem:s26+$0x700] =	vst v18;
	v18 =	vadd.s32 $0x155CC0, v17  }
0x30: {  	s28 =	simm.s32 $0x80;
	[tilespmem:s26+$0x780] =	vst v18;
	v18 =	vmin.u32 v19, $0x1869F  }
.LBB2_2:
0x31: {  	s29 =	sshra.s32 s28, $0x2;
	p0 =	sne.s32 s28, $0x1C0;
	s28 =	sadd.s32 $0x40, s28;
	v19 =	vadd.s32 $0x186A0, v18;
	[tilespmem:s26+$0x80] =	vst v17;
	v17 =	vmov v18  }
0x32: {  	s26 =	smov.u32 s25;
	v18 =	vld [tilespmem:s29+$0x0];
	[tilespmem:s25+$0x100] =	vst v19;
	v19 =	vadd.s32 $0x30D40, v17;
	s25 =	smov.u32 s29  }
0x33: {  	[tilespmem:s26+$0x180] =	vst v19;
	v19 =	vadd.s32 $0x493E0, v17  }
0x34: {  	[tilespmem:s26+$0x200] =	vst v19;
	v19 =	vadd.s32 $0x61A80, v17  }
0x35: {  	[tilespmem:s26+$0x280] =	vst v19;
	v19 =	vadd.s32 $0x7A120, v17  }
0x36: {  	[tilespmem:s26+$0x300] =	vst v19;
	v19 =	vadd.s32 $0x927C0, v17  }
0x37: {  	v18 =	vadd.f32 $1.000000000e+01, v18;
	[tilespmem:s26+$0x380] =	vst v19;
	v19 =	vadd.s32 $0xAAE60, v17  }
0x38: {  	[tilespmem:s26+$0x400] =	vst v19;
	v19 =	vadd.s32 $0xC3500, v17  }
0x39: {  	v18 =	vmul.f32 v18, v13;
	[tilespmem:s26+$0x480] =	vst v19;
	v19 =	vadd.s32 $0xDBBA0, v17  }
0x3a: {  	[tilespmem:s26+$0x500] =	vst v19;
	v19 =	vadd.s32 $0xF4240, v17  }
0x3b: {  	v18 =	vtrunc.f32 v18;
	[tilespmem:s26+$0x580] =	vst v19;
	v19 =	vadd.s32 $0x10C8E0, v17  }
.Ltmp0:
0x3c: {  	v18 =	vcvt.f32.s32 v18;
	[tilespmem:s26+$0x600] =	vst v19;
	v19 =	vadd.s32 $0x124F80, v17;
	(pc) =	sbr.rel @p0 .LBB2_2-.Ltmp0, $4  }
0x3d: {  	[tilespmem:s26+$0x680] =	vst v19;
	v19 =	vadd.s32 $0x13D620, v17  }
0x3e: {  	vm0 =	vgt.s32 v18, $0x0;
	[tilespmem:s26+$0x700] =	vst v19;
	v19 =	vadd.s32 $0x155CC0, v17  }
0x3f: {  	v18 =	vnsel vm0, $0x0, v18;
	[tilespmem:s26+$0x780] =	vst v19;
	v19 =	vadd.s32 $0x16E360, v17  }
0x40: {  	v18 =	vmin.u32 v18, $0x1869F;
	[tilespmem:s26+$0x800] =	vst v19  }
0x41: {  	v19 =	vadd.s32 $0x186A0, v18;
	[tilespmem:s26+$0x80] =	vst v17  }
0x42: {  	v17 =	vadd.s32 $0x30D40, v18;
	[tilespmem:s25+$0x100] =	vst v19  }
0x43: {  	[tilespmem:s25+$0x180] =	vst v17  }
0x44: {  	v17 =	vadd.s32 $0x493E0, v18;
	[tilespmem:s25+$0x80] =	vst v18  }
0x45: {  	[tilespmem:s25+$0x200] =	vst v17;
	v17 =	vadd.s32 $0x61A80, v18  }
0x46: {  	[tilespmem:s25+$0x280] =	vst v17;
	v17 =	vadd.s32 $0x7A120, v18  }
0x47: {  	[tilespmem:s25+$0x300] =	vst v17;
	v17 =	vadd.s32 $0x927C0, v18  }
0x48: {  	[tilespmem:s25+$0x380] =	vst v17;
	v17 =	vadd.s32 $0xAAE60, v18  }
0x49: {  	[tilespmem:s25+$0x400] =	vst v17;
	v17 =	vadd.s32 $0xC3500, v18  }
0x4a: {  	[tilespmem:s25+$0x480] =	vst v17;
	v17 =	vadd.s32 $0xDBBA0, v18  }
0x4b: {  	[tilespmem:s25+$0x500] =	vst v17;
	v17 =	vadd.s32 $0xF4240, v18  }
0x4c: {  	[tilespmem:s25+$0x580] =	vst v17;
	v17 =	vadd.s32 $0x10C8E0, v18  }
0x4d: {  	[tilespmem:s25+$0x600] =	vst v17;
	v17 =	vadd.s32 $0x124F80, v18  }
0x4e: {  	[tilespmem:s25+$0x680] =	vst v17;
	v17 =	vadd.s32 $0x13D620, v18  }
0x4f: {  	[tilespmem:s25+$0x700] =	vst v17;
	v17 =	vadd.s32 $0x155CC0, v18  }
0x50: {  	[tilespmem:s25+$0x780] =	vst v17;
	v17 =	vadd.s32 $0x16E360, v18  }
0x51: {  	s26 =	rddreg [dreg:$0x1];
	s29 =	simm.s32 $0x1080;
	[tilespmem:s25+$0x800] =	vst v17  }
0x52: {  	[tilespmem:s29], [sflag:$0x2] =	stream.indirect.gather [hbm4b:s26+s11], $0x1, s11, s11, $0xb8;
	[tilespmem:$0x1290] =	vst v63  }
0x53: {  	s29 =	simm.s32 $0x880  }
0x54: {  	[tilespmem:s29], [sflag:$0x1] =	stream.indirect.gather [hbm4b:s5+s11], $0x1, s11, s11, $0xb8;
	[tilespmem:$0x1290] =	vst v63  }
0x55: {  	s26 =	simm.s32 $0x100;
	s29 =	simm.s32 $0x900  }
0x56: {  	[tilespmem:s29], [sflag:$0x1] =	stream.indirect.gather [hbm4b:s5+s11], $0x1, s26, s11, $0xb8;
	[tilespmem:$0x1290] =	vst v63  }
0x57: {  	s26 =	simm.s32 $0x180;
	s29 =	simm.s32 $0x980  }
0x58: {  	[tilespmem:s29], [sflag:$0x1] =	stream.indirect.gather [hbm4b:s5+s11], $0x1, s26, s11, $0xb8;
	[tilespmem:$0x1290] =	vst v63  }
0x59: {  	s26 =	simm.s32 $0x200;
	s29 =	simm.s32 $0xA00  }
0x5a: {  	[tilespmem:s29], [sflag:$0x1] =	stream.indirect.gather [hbm4b:s5+s11], $0x1, s26, s11, $0xb8;
	[tilespmem:$0x1290] =	vst v63  }
0x5b: {  	s26 =	simm.s32 $0x280;
	s29 =	simm.s32 $0xA80  }
0x5c: {  	[tilespmem:s29], [sflag:$0x1] =	stream.indirect.gather [hbm4b:s5+s11], $0x1, s26, s11, $0xb8;
	[tilespmem:$0x1290] =	vst v63  }
0x5d: {  	s26 =	simm.s32 $0x300;
	s29 =	simm.s32 $0xB00  }
0x5e: {  	[tilespmem:s29], [sflag:$0x1] =	stream.indirect.gather [hbm4b:s5+s11], $0x1, s26, s11, $0xb8;
	[tilespmem:$0x1290] =	vst v63  }
0x5f: {  	s26 =	simm.s32 $0x380;
	s29 =	simm.s32 $0xB80  }
0x60: {  	[tilespmem:s29], [sflag:$0x1] =	stream.indirect.gather [hbm4b:s5+s11], $0x1, s26, s11, $0xb8;
	[tilespmem:$0x1290] =	vst v63  }
0x61: {  	s26 =	simm.s32 $0x400;
	s29 =	simm.s32 $0xC00  }
0x62: {  	[tilespmem:s29], [sflag:$0x1] =	stream.indirect.gather [hbm4b:s5+s11], $0x1, s26, s11, $0xb8;
	[tilespmem:$0x1290] =	vst v63  }
0x63: {  	s29 =	simm.s32 $0x480  }
0x64: {  	[tilespmem:s30], [sflag:$0x1] =	stream.indirect.gather [hbm4b:s5+s11], $0x1, s29, s11, $0xb8;
	[tilespmem:$0x1290] =	vst v63  }
0x65: {  	_ = 	snop  }
0x66: {  	[tilespmem:s0], [sflag:$0x1] =	stream.indirect.gather [hbm4b:s5+s11], $0x1, s31, s11, $0xb8;
	[tilespmem:$0x1290] =	vst v63  }
0x67: {  	_ = 	snop  }
0x68: {  	[tilespmem:s1], [sflag:$0x1] =	stream.indirect.gather [hbm4b:s5+s11], $0x1, s3, s11, $0xb8;
	[tilespmem:$0x1290] =	vst v63  }
0x69: {  	_ = 	snop  }
0x6a: {  	[tilespmem:s10], [sflag:$0x1] =	stream.indirect.gather [hbm4b:s5+s11], $0x1, s2, s11, $0xb8;
	[tilespmem:$0x1290] =	vst v63  }
0x6b: {  	_ = 	snop  }
0x6c: {  	[tilespmem:s13], [sflag:$0x1] =	stream.indirect.gather [hbm4b:s5+s11], $0x1, s12, s11, $0xb8;
	[tilespmem:$0x1290] =	vst v63  }
0x6d: {  	_ = 	snop  }
0x6e: {  	[tilespmem:s15], [sflag:$0x1] =	stream.indirect.gather [hbm4b:s5+s11], $0x1, s14, s11, $0xb8;
	[tilespmem:$0x1290] =	vst v63  }
0x6f: {  	_ = 	snop  }
0x70: {  	[tilespmem:s17], [sflag:$0x1] =	stream.indirect.gather [hbm4b:s5+s11], $0x1, s16, s11, $0xb8;
	[tilespmem:$0x1290] =	vst v63  }
0x71: {  	_ = 	snop  }
0x72: {  	[tilespmem:s19], [sflag:$0x1] =	stream.indirect.gather [hbm4b:s5+s11], $0x1, s18, s11, $0xb8;
	[tilespmem:$0x1290] =	vst v63  }
0x73: {  	v17 =	vld [tilespmem:$0x1100];
	_ =	sdelay $0x4  }
0x74: {  	[tilespmem:v0+s20+$0x0] =	vst.idx.msk $0xffff, v17  }
0x75: {  	[tilespmem:v1+s20+$0x0] =	vst.idx.msk $0xffff, v17  }
0x76: {  	[tilespmem:v2+s20+$0x0] =	vst.idx.msk $0xffff, v17  }
0x77: {  	[tilespmem:v3+s20+$0x0] =	vst.idx.msk $0xffff, v17  }
0x78: {  	[tilespmem:v4+s20+$0x0] =	vst.idx.msk $0xffff, v17  }
0x79: {  	[tilespmem:v5+s20+$0x0] =	vst.idx.msk $0xffff, v17  }
0x7a: {  	[tilespmem:v6+s20+$0x0] =	vst.idx.msk $0xffff, v17  }
0x7b: {  	[tilespmem:v7+s20+$0x0] =	vst.idx.msk $0xffff, v17  }
0x7c: {  	[tilespmem:v8+s20+$0x0] =	vst.idx.msk $0xffff, v17  }
0x7d: {  	[tilespmem:v9+s20+$0x0] =	vst.idx.msk $0xffff, v17  }
0x7e: {  	[tilespmem:v10+s20+$0x0] =	vst.idx.msk $0xffff, v17  }
0x7f: {  	[tilespmem:v11+s20+$0x0] =	vst.idx.msk $0xffff, v17  }
0x80: {  	[tilespmem:v12+s20+$0x0] =	vst.idx.msk $0xffff, v17  }
0x81: {  	[tilespmem:v14+s20+$0x0] =	vst.idx.msk $0xffff, v17  }
0x82: {  	[tilespmem:v15+s20+$0x0] =	vst.idx.msk $0xffff, v17  }
0x83: {  	[tilespmem:v16+s20+$0x0] =	vst.idx.msk $0xffff, v17  }
0x84: {  	_ =	swait.ge [sflag:s21], $0x80  }
0x85: {  	[sflag:s21] =	ssyncset.done $0x0  }
0x86: {  	[sflag:s21] =	ssyncadd.s32 $0xFFFFFF80  }
0x87: {  	_ =	swait.ge [sflag:s22], $0x80  }
0x88: {  	[sflag:s22] =	ssyncset.done $0x0  }
0x89: {  	[sflag:s22] =	ssyncadd.s32 $0xFFFFFF80  }
0x8a: {  	_ =	swait.ge [sflag:s22], $0x80  }
0x8b: {  	[sflag:s22] =	ssyncset.done $0x0  }
0x8c: {  	[sflag:s22] =	ssyncadd.s32 $0xFFFFFF80  }
0x8d: {  	_ =	swait.ge [sflag:s22], $0x80  }
0x8e: {  	[sflag:s22] =	ssyncset.done $0x0  }
0x8f: {  	[sflag:s22] =	ssyncadd.s32 $0xFFFFFF80  }
0x90: {  	_ =	swait.ge [sflag:s22], $0x80  }
0x91: {  	[sflag:s22] =	ssyncset.done $0x0  }
0x92: {  	[sflag:s22] =	ssyncadd.s32 $0xFFFFFF80  }
0x93: {  	_ =	swait.ge [sflag:s22], $0x80  }
0x94: {  	[sflag:s22] =	ssyncset.done $0x0  }
0x95: {  	[sflag:s22] =	ssyncadd.s32 $0xFFFFFF80  }
0x96: {  	_ =	swait.ge [sflag:s22], $0x80  }
0x97: {  	[sflag:s22] =	ssyncset.done $0x0  }
0x98: {  	[sflag:s22] =	ssyncadd.s32 $0xFFFFFF80  }
0x99: {  	_ =	swait.ge [sflag:s22], $0x80  }
0x9a: {  	[sflag:s22] =	ssyncset.done $0x0  }
0x9b: {  	[sflag:s22] =	ssyncadd.s32 $0xFFFFFF80  }
0x9c: {  	_ =	swait.ge [sflag:s22], $0x80  }
0x9d: {  	[sflag:s22] =	ssyncset.done $0x0  }
0x9e: {  	[sflag:s22] =	ssyncadd.s32 $0xFFFFFF80  }
0x9f: {  	_ =	swait.ge [sflag:s22], $0x80  }
0xa0: {  	[sflag:s22] =	ssyncset.done $0x0  }
0xa1: {  	[sflag:s22] =	ssyncadd.s32 $0xFFFFFF80  }
0xa2: {  	_ =	swait.ge [sflag:s22], $0x80  }
0xa3: {  	[sflag:s22] =	ssyncset.done $0x0  }
0xa4: {  	[sflag:s22] =	ssyncadd.s32 $0xFFFFFF80  }
0xa5: {  	_ =	swait.ge [sflag:s22], $0x80  }
0xa6: {  	[sflag:s22] =	ssyncset.done $0x0  }
0xa7: {  	[sflag:s22] =	ssyncadd.s32 $0xFFFFFF80  }
0xa8: {  	_ =	swait.ge [sflag:s22], $0x80  }
0xa9: {  	[sflag:s22] =	ssyncset.done $0x0  }
0xaa: {  	[sflag:s22] =	ssyncadd.s32 $0xFFFFFF80  }
0xab: {  	_ =	swait.ge [sflag:s22], $0x80  }
0xac: {  	[sflag:s22] =	ssyncset.done $0x0  }
0xad: {  	[sflag:s22] =	ssyncadd.s32 $0xFFFFFF80  }
0xae: {  	_ =	swait.ge [sflag:s22], $0x80  }
0xaf: {  	[sflag:s22] =	ssyncset.done $0x0  }
0xb0: {  	[sflag:s22] =	ssyncadd.s32 $0xFFFFFF80  }
0xb1: {  	_ =	swait.ge [sflag:s22], $0x80  }
0xb2: {  	[sflag:s22] =	ssyncset.done $0x0  }
0xb3: {  	[sflag:s22] =	ssyncadd.s32 $0xFFFFFF80  }
0xb4: {  	_ =	swait.ge [sflag:s22], $0x80  }
0xb5: {  	[sflag:s22] =	ssyncset.done $0x0  }
0xb6: {  	[sflag:s22] =	ssyncadd.s32 $0xFFFFFF80  }
0xb7: {  	v32 =	vld [tilespmem:$0x1110]  }
0xb8: {  	v31 =	vld [tilespmem:$0x1120]  }
0xb9: {  	v30 =	vld [tilespmem:$0x1130]  }
0xba: {  	v29 =	vld [tilespmem:$0x1140]  }
0xbb: {  	v28 =	vld [tilespmem:$0x1150]  }
0xbc: {  	s25 =	simm.s32 $0x0;
	v25 =	vld [tilespmem:$0x1160]  }
0xbd: {  	v17 =	vld [tilespmem:s25+$0x880]  }
0xbe: {  	v18 =	vld [tilespmem:s25+$0x1080]  }
0xbf: {  	v19 =	vld [tilespmem:s25+$0x900]  }
0xc0: {  	v23 =	vld [tilespmem:$0x1170]  }
0xc1: {  	v21 =	vld [tilespmem:s25+$0x980]  }
0xc2: {  	v24 =	vld [tilespmem:$0x1180];
	v17 =	vadd.f32 v17, v32  }
0xc3: {  	v22 =	vld [tilespmem:$0x1190];
	v18 =	vmul.f32 $1.442695020e+00, v18  }
0xc4: {  	v26 =	vld [tilespmem:s25+$0xA00];
	v19 =	vadd.f32 v19, v31;
	v17 =	vmul.f32 $1.442695020e+00, v17  }
0xc5: {  	v20 =	vld [tilespmem:$0x11A0];
	(erf) = vpow2.f32 v18  }
0xc6: {  	v34 =	vld [tilespmem:s25+$0xB00];
	v33 =	vadd.f32 v21, v30;
	v27 =	vmul.f32 $1.442695020e+00, v19;
	(erf) = vpow2.f32 v17  }
0xc7: {  	v18 =	vld [tilespmem:s25+$0xA80]  }
0xc8: {  	v33 =	vmul.f32 $1.442695020e+00, v33;
	(erf) = vpow2.f32 v27;
	v27 =	vld [tilespmem:s25+$0xB80]  }
0xc9: {  	v52 =	vld [tilespmem:s25+$0xC00]  }
0xca: {  	v35 =	vld [tilespmem:s25+$0xC80];
	v26 =	vadd.f32 v26, v29;
	(erf) = vpow2.f32 v33  }
0xcb: {  	v37 =	vld [tilespmem:s25+$0xD00]  }
0xcc: {  	v54 =	vld [tilespmem:s25+$0x1000];
	v26 =	vmul.f32 $1.442695020e+00, v26;
	v18 =	vadd.f32 v18, v28  }
0xcd: {  	v56 =	vld [tilespmem:s25+$0xD80];
	v34 =	vadd.f32 v34, v25;
	v27 =	vadd.f32 v27, v23  }
0xce: {  	v41 =	vld [tilespmem:s25+$0xF80];
	(erf) = vpow2.f32 v26;
	v36 =	vmul.f32 $1.442695020e+00, v18;
	v53 =	vpop (erf)  }
0xcf: {  	v43 =	vld [tilespmem:s25+$0xE00];
	v26 =	vmul.f32 $1.442695020e+00, v34;
	v38 =	vpop (erf)  }
0xd0: {  	v21 =	vld [tilespmem:$0x11B0];
	v58 =	vadd.f32 v37, v20;
	(erf) = vpow2.f32 v36;
	v55 =	vadd.f32 $1.000000000e+00, v38  }
0xd1: {  	v37 =	vld [tilespmem:s25+$0xE80];
	(erf) = vpow2.f32 v26;
	v26 =	vadd.f32 v52, v24;
	v39 =	vmul.f32 $1.442695020e+00, v27;
	v27 =	vpop (erf)  }
0xd2: {  	v19 =	vld [tilespmem:$0x11C0];
	v57 =	vadd.f32 $1.000000000e+00, v27;
	v33 =	vmul.f32 v55, v53  }
0xd3: {  	v17 =	vld [tilespmem:$0x11F0];
	v40 =	vmul.f32 $1.442695020e+00, v26;
	(erf) = vpow2.f32 v39;
	v59 =	vpop (erf)  }
0xd4: {  	s26 =	simm.s32 $0x10;
	v35 =	vadd.f32 v35, v22;
	v18 =	vld [tilespmem:$0x1200];
	v60 =	vadd.f32 $1.000000000e+00, v59;
	v33 =	vmul.f32 v57, v33  }
0xd5: {  	v39 =	vld [tilespmem:s26+$0x1080];
	(erf) = vpow2.f32 v40  }
0xd6: {  	v35 =	vmul.f32 $1.442695020e+00, v35;
	v27 =	vld [tilespmem:$0x11D0];
	v33 =	vmul.f32 v60, v33  }
0xd7: {  	v44 =	vmul.f32 $1.442695020e+00, v58;
	v26 =	vld [tilespmem:$0x11E0];
	v38 =	vadd.f32 v56, v21;
	v61 =	vpop (erf)  }
0xd8: {  	v43 =	vadd.f32 v43, v19;
	v40 =	vld [tilespmem:s25+$0xF00];
	v62 =	vadd.f32 $1.000000000e+00, v61;
	(erf) = vpow2.f32 v35  }
0xd9: {  	v36 =	vadd.f32 v54, v18;
	v42 =	vmul.f32 $1.442695020e+00, v38;
	v38 =	vadd.f32 v41, v17;
	v63 =	vpop (erf)  }
0xda: {  	s28 =	simm.s32 $0x80;
	v41 =	vld [tilespmem:s26+$0x880];
	(erf) = vpow2.f32 v44;
	v35 =	vadd.f32 $1.000000000e+00, v63;
	v34 =	vmul.f32 v62, v33;
	v33 =	vpop (erf)  }
.LBB2_4:
0xdb: {  	p0 =	sne.s32 s28, $0x1C0;
	v39 =	vmul.f32 $1.442695020e+00, v39;
	v43 =	vmul.f32 $1.442695020e+00, v43;
	v37 =	vadd.f32 v37, v27  }
0xdc: {  	v33 =	vadd.f32 $1.000000000e+00, v33;
	v44 =	vld [tilespmem:s26+$0x900];
	v34 =	vmul.f32 v35, v34;
	v35 =	vpop (erf);
	(erf) = vpow2.f32 v42  }
0xdd: {  	v36 =	vmul.f32 $1.442695020e+00, v36;
	v37 =	vmul.f32 $1.442695020e+00, v37;
	v40 =	vadd.f32 v40, v26  }
0xde: {  	v42 =	vld [tilespmem:s26+$0x980];
	v33 =	vmul.f32 v33, v34;
	v34 =	vadd.f32 $1.000000000e+00, v35;
	v35 =	vpop (erf);
	(erf) = vpow2.f32 v43  }
0xdf: {  	v38 =	vmul.f32 $1.442695020e+00, v38;
	v41 =	vadd.f32 v41, v32;
	v40 =	vmul.f32 $1.442695020e+00, v40  }
0xe0: {  	v43 =	vld [tilespmem:s26+$0xA00];
	v33 =	vmul.f32 v34, v33;
	v34 =	vadd.f32 $1.000000000e+00, v35;
	(erf) = vpow2.f32 v37  }
0xe1: {  	v35 =	vmul.f32 $1.442695020e+00, v41;
	v37 =	vadd.f32 v44, v31;
	(erf) = vpow2.f32 v39;
	v39 =	vpop (erf)  }
0xe2: {  	v41 =	vld [tilespmem:s26+$0xA80];
	v33 =	vmul.f32 v34, v33;
	v34 =	vadd.f32 $1.000000000e+00, v39;
	(erf) = vpow2.f32 v40  }
0xe3: {  	v37 =	vmul.f32 $1.442695020e+00, v37;
	v39 =	vadd.f32 v42, v30;
	v40 =	vpop (erf);
	(erf) = vpow2.f32 v38  }
0xe4: {  	v38 =	vld [tilespmem:s26+$0xB00];
	(erf) = vpow2.f32 v35;
	v33 =	vmul.f32 v34, v33;
	v34 =	vadd.f32 $1.000000000e+00, v40  }
0xe5: {  	v35 =	vmul.f32 $1.442695020e+00, v39;
	v39 =	vadd.f32 v43, v29;
	v40 =	vld [tilespmem:s26+$0xC80];
	v42 =	vpop (erf);
	(erf) = vpow2.f32 v36  }
0xe6: {  	v36 =	vld [tilespmem:s26+$0xB80];
	(erf) = vpow2.f32 v37;
	v33 =	vmul.f32 v34, v33;
	v34 =	vadd.f32 $1.000000000e+00, v42  }
0xe7: {  	v37 =	vmul.f32 $1.442695020e+00, v39;
	v43 =	vadd.f32 v41, v28;
	v41 =	vpop (erf)  }
0xe8: {  	v42 =	vld [tilespmem:s26+$0xC00];
	(erf) = vpow2.f32 v35;
	v33 =	vmul.f32 v34, v33;
	v34 =	vadd.f32 $1.000000000e+00, v41  }
0xe9: {  	v43 =	vmul.f32 $1.442695020e+00, v43;
	v38 =	vadd.f32 v38, v25;
	v39 =	vpop (erf)  }
0xea: {  	v41 =	vpop (erf);
	(erf) = vpow2.f32 v37;
	v33 =	vmul.f32 v34, v33;
	v34 =	vadd.f32 $1.000000000e+00, v39  }
0xeb: {  	v37 =	vmul.f32 $1.442695020e+00, v38;
	v36 =	vadd.f32 v36, v23;
	v38 =	vadd.f32 v40, v22;
	v39 =	vpop (erf)  }
0xec: {  	v40 =	vld [tilespmem:s26+$0xD00];
	(erf) = vpow2.f32 v43;
	v33 =	vmul.f32 v34, v33;
	v34 =	vadd.f32 $1.000000000e+00, v39;
	v35 =	vpop (erf)  }
0xed: {  	v36 =	vmul.f32 $1.442695020e+00, v36;
	v39 =	vadd.f32 v42, v24;
	v42 =	vld [tilespmem:s26+$0x1000];
	v43 =	vpop (erf);
	(erf) = vpow2.f32 v37  }
0xee: {  	v37 =	vadd.f32 $1.000000000e+00, v43;
	v43 =	vld [tilespmem:s26+$0xD80];
	v33 =	vmul.f32 v34, v33;
	v34 =	vadd.f32 $1.000000000e+00, v35;
	v35 =	vpop (erf)  }
0xef: {  	v39 =	vmul.f32 $1.442695020e+00, v39;
	v44 =	vld [tilespmem:s26+$0xF80];
	v45 =	vpop (erf);
	(erf) = vpow2.f32 v36;
	v35 =	vadd.f32 $1.000000000e+00, v35  }
0xf0: {  	v36 =	vmul.f32 v37, v41;
	v41 =	vadd.f32 $1.000000000e+00, v45;
	v45 =	vld [tilespmem:s26+$0xE00];
	v33 =	vmul.f32 v34, v33  }
0xf1: {  	s29 =	sshra.s32 s28, $0x2;
	v34 =	vmul.f32 $1.442695020e+00, v38;
	v47 =	vadd.f32 v40, v20;
	v37 =	vld [tilespmem:s26+$0xE80];
	v40 =	vpop (erf);
	(erf) = vpow2.f32 v39  }
.Ltmp1:
0xf2: {  	v39 =	vld [tilespmem:s29+$0x1080];
	v41 =	vmul.f32 v41, v36;
	v40 =	vadd.f32 $1.000000000e+00, v40;
	v49 =	vmul.f32 v35, v33;
	(pc) =	sbr.rel @p0 .LBB2_4-.Ltmp1, $4  }
0xf3: {  	v36 =	vadd.f32 v42, v18;
	v46 =	vmul.f32 $1.442695020e+00, v47;
	v35 =	vadd.f32 v43, v21;
	v38 =	vpop (erf)  }
0xf4: {  	v47 =	vmul.f32 v40, v41;
	v48 =	vadd.f32 $1.000000000e+00, v38;
	v40 =	vld [tilespmem:s26+$0xF00];
	(erf) = vpow2.f32 v34;
	[tilespmem:s25+$0x1210] =	vst v49;
	s25 =	smov.u32 s26;
	s26 =	smov.u32 s29  }
0xf5: {  	v38 =	vadd.f32 v44, v17;
	v42 =	vmul.f32 $1.442695020e+00, v35;
	v43 =	vadd.f32 v45, v19;
	v33 =	vpop (erf)  }
0xf6: {  	s28 =	sadd.s32 $0x40, s28;
	v41 =	vld [tilespmem:s26+$0x880];
	v34 =	vmul.f32 v48, v47;
	v35 =	vadd.f32 $1.000000000e+00, v33;
	v33 =	vpop (erf);
	(erf) = vpow2.f32 v46  }
0xf7: {  	_ = 	snop  }
0xf8: {  	v37 =	vadd.f32 v37, v27;
	v44 =	vld [tilespmem:s26+$0x900]  }
0xf9: {  	v43 =	vmul.f32 $1.442695020e+00, v43;
	(erf) = vpow2.f32 v42  }
0xfa: {  	v39 =	vmul.f32 $1.442695020e+00, v39;
	v51 =	vld [tilespmem:s26+$0x980];
	v37 =	vmul.f32 $1.442695020e+00, v37;
	v40 =	vadd.f32 v40, v26  }
0xfb: {  	v52 =	vmul.f32 $1.442695020e+00, v38;
	(erf) = vpow2.f32 v43;
	v32 =	vadd.f32 v41, v32  }
0xfc: {  	v53 =	vld [tilespmem:s26+$0xA00];
	v40 =	vmul.f32 $1.442695020e+00, v40;
	(erf) = vpow2.f32 v37  }
0xfd: {  	v54 =	vld [tilespmem:s26+$0xA80];
	(erf) = vpow2.f32 v39;
	v31 =	vadd.f32 v44, v31;
	v32 =	vmul.f32 $1.442695020e+00, v32  }
0xfe: {  	v36 =	vmul.f32 $1.442695020e+00, v36;
	(erf) = vpow2.f32 v40  }
0xff: {  	v39 =	vpop (erf);
	v30 =	vadd.f32 v51, v30;
	(erf) = vpow2.f32 v52;
	v31 =	vmul.f32 $1.442695020e+00, v31  }
0x100: {  	v37 =	vpop (erf);
	(erf) = vpow2.f32 v32  }
0x101: {  	v55 =	vld [tilespmem:s26+$0xB00];
	v29 =	vadd.f32 v53, v29;
	v30 =	vmul.f32 $1.442695020e+00, v30;
	v32 =	vpop (erf);
	(erf) = vpow2.f32 v36  }
0x102: {  	v28 =	vadd.f32 v54, v28;
	v36 =	vpop (erf);
	(erf) = vpow2.f32 v31  }
0x103: {  	v56 =	vld [tilespmem:s26+$0xB80];
	v29 =	vmul.f32 $1.442695020e+00, v29;
	v31 =	vpop (erf)  }
0x104: {  	v57 =	vld [tilespmem:s26+$0xC00];
	v28 =	vmul.f32 $1.442695020e+00, v28;
	(erf) = vpow2.f32 v30;
	v40 =	vpop (erf)  }
0x105: {  	v30 =	vpop (erf)  }
0x106: {  	v58 =	vld [tilespmem:s26+$0xC80];
	v25 =	vadd.f32 v55, v25;
	(erf) = vpow2.f32 v29;
	v59 =	vpop (erf)  }
0x107: {  	v29 =	vpop (erf)  }
0x108: {  	v60 =	vld [tilespmem:s26+$0xD00];
	v23 =	vadd.f32 v56, v23;
	v25 =	vmul.f32 $1.442695020e+00, v25;
	(erf) = vpow2.f32 v28;
	v28 =	vpop (erf)  }
0x109: {  	v24 =	vadd.f32 v57, v24;
	v61 =	vpop (erf)  }
0x10a: {  	v63 =	vld [tilespmem:s26+$0xD80];
	v23 =	vmul.f32 $1.442695020e+00, v23;
	(erf) = vpow2.f32 v25;
	v62 =	vadd.f32 $1.000000000e+00, v61;
	v44 =	vpop (erf)  }
0x10b: {  	v33 =	vadd.f32 $1.000000000e+00, v33;
	v22 =	vadd.f32 v58, v22;
	v24 =	vmul.f32 $1.442695020e+00, v24;
	v46 =	vpop (erf)  }
0x10c: {  	v49 =	vld [tilespmem:s26+$0xE00];
	(erf) = vpow2.f32 v23;
	v47 =	vmul.f32 v62, v59;
	v48 =	vadd.f32 $1.000000000e+00, v46  }
0x10d: {  	v34 =	vmul.f32 v35, v34;
	v20 =	vadd.f32 v60, v20;
	v22 =	vmul.f32 $1.442695020e+00, v22;
	v50 =	vpop (erf)  }
0x10e: {  	v51 =	vld [tilespmem:s26+$0xE80];
	(erf) = vpow2.f32 v24;
	v52 =	vadd.f32 $1.000000000e+00, v50;
	v23 =	vmul.f32 v48, v47  }
0x10f: {  	v53 =	vmul.f32 v33, v34;
	v21 =	vadd.f32 v63, v21;
	v56 =	vld [tilespmem:s26+$0xF00];
	v20 =	vmul.f32 $1.442695020e+00, v20;
	v54 =	vpop (erf)  }
0x110: {  	v34 =	vld [tilespmem:s26+$0x1000];
	(erf) = vpow2.f32 v22;
	v55 =	vadd.f32 $1.000000000e+00, v54;
	v23 =	vmul.f32 v52, v23  }
0x111: {  	v19 =	vadd.f32 v49, v19;
	v57 =	vadd.f32 $1.000000000e+00, v39;
	v21 =	vmul.f32 $1.442695020e+00, v21;
	v58 =	vpop (erf)  }
0x112: {  	v59 =	vld [tilespmem:s26+$0xF80];
	(erf) = vpow2.f32 v20;
	v60 =	vadd.f32 $1.000000000e+00, v58;
	v23 =	vmul.f32 v55, v23  }
0x113: {  	v19 =	vmul.f32 $1.442695020e+00, v19;
	v38 =	vadd.f32 $1.000000000e+00, v37;
	v63 =	vadd.f32 v51, v27;
	v62 =	vpop (erf)  }
0x114: {  	(erf) = vpow2.f32 v21;
	v22 =	vadd.f32 $1.000000000e+00, v62;
	v23 =	vmul.f32 v60, v23  }
0x115: {  	v41 =	vadd.f32 v56, v26;
	v18 =	vadd.f32 v34, v18;
	v25 =	vmul.f32 $1.442695020e+00, v63;
	v39 =	vpop (erf)  }
0x116: {  	(erf) = vpow2.f32 v19;
	v42 =	vadd.f32 $1.000000000e+00, v39;
	v22 =	vmul.f32 v22, v23  }
0x117: {  	v45 =	vmul.f32 $1.442695020e+00, v41;
	v61 =	vmul.f32 v57, v53;
	v17 =	vadd.f32 v59, v17;
	v43 =	vpop (erf)  }
0x118: {  	(erf) = vpow2.f32 v25;
	v20 =	vadd.f32 $1.000000000e+00, v43;
	v22 =	vmul.f32 v42, v22  }
0x119: {  	v46 =	vadd.f32 $1.000000000e+00, v32;
	v19 =	vmul.f32 v38, v61;
	v17 =	vmul.f32 $1.442695020e+00, v17;
	v47 =	vpop (erf)  }
0x11a: {  	(erf) = vpow2.f32 v45;
	v48 =	vadd.f32 $1.000000000e+00, v47;
	v20 =	vmul.f32 v20, v22  }
0x11b: {  	v49 =	vadd.f32 $1.000000000e+00, v36;
	v18 =	vmul.f32 $1.442695020e+00, v18;
	v19 =	vmul.f32 v46, v19;
	v50 =	vpop (erf)  }
0x11c: {  	(erf) = vpow2.f32 v17;
	v51 =	vadd.f32 $1.000000000e+00, v50;
	v17 =	vmul.f32 v48, v20  }
0x11d: {  	v52 =	vadd.f32 $1.000000000e+00, v31;
	v19 =	vmul.f32 v49, v19;
	v53 =	vpop (erf)  }
0x11e: {  	(erf) = vpow2.f32 v18;
	v18 =	vadd.f32 $1.000000000e+00, v53;
	v17 =	vmul.f32 v51, v17  }
0x11f: {  	v54 =	vadd.f32 $1.000000000e+00, v40;
	v19 =	vmul.f32 v52, v19;
	v55 =	vpop (erf)  }
0x120: {  	v17 =	vmul.f32 v18, v17;
	v18 =	vadd.f32 $1.000000000e+00, v55  }
0x121: {  	v56 =	vadd.f32 $1.000000000e+00, v30;
	v19 =	vmul.f32 v54, v19;
	v57 =	vpop (erf)  }
0x122: {  	v17 =	vmul.f32 v18, v17;
	v18 =	vadd.f32 $1.000000000e+00, v57  }
0x123: {  	v58 =	vadd.f32 $1.000000000e+00, v29;
	v19 =	vmul.f32 v56, v19;
	v59 =	vpop (erf)  }
0x124: {  	v17 =	vmul.f32 v18, v17;
	v18 =	vadd.f32 $1.000000000e+00, v59  }
0x125: {  	v60 =	vadd.f32 $1.000000000e+00, v28;
	v19 =	vmul.f32 v58, v19;
	v61 =	vpop (erf)  }
0x126: {  	v17 =	vmul.f32 v18, v17;
	v18 =	vadd.f32 $1.000000000e+00, v61  }
0x127: {  	v62 =	vadd.f32 $1.000000000e+00, v44;
	v19 =	vmul.f32 v60, v19;
	v63 =	vpop (erf)  }
0x128: {  	v20 =	vadd.f32 $1.000000000e+00, v63;
	v17 =	vmul.f32 v18, v17  }
0x129: {  	v18 =	vmul.f32 v62, v19  }
0x12a: {  	s24 =	sadd.s32 $0x1, s24;
	v17 =	vmul.f32 v20, v17  }
0x12b: {  	p0 =	sne.s32 s24, s8;
	[tilespmem:s25+$0x1210] =	vst v18  }
.Ltmp2:
0x12c: {  	[tilespmem:s26+$0x1210] =	vst v17;
	(pc) =	sbr.rel @p0 .LBB2_1-.Ltmp2, $4  }
0x12d: {  	[hbm4b:s7+s4] =	stream.linear.scatter [tilespmem:s23], [sflag:$0x3], $0x80, $0x38;
	[tilespmem:$0x1290] =	vst v63  }
0x12e: {  	_ =	swait.ge [sflag:s9], $0x80  }
0x12f: {  	[sflag:s9] =	ssyncset.done $0x0  }
0x130: {  	[sflag:s9] =	ssyncadd.s32 $0xFFFFFF80  }
0x131: {  	_ =	sfence.sel $0x180000  }
0x132: {  	[bflag:$0x0] =	sbarrier.arrive $0xFFFF  }
0x133: {  	_ =	strace $0x90000047  }
0x134: {  	s0 =	stileid.u32;
	[bflag:$0x2] =	sbarrier.arrive $0xFFFF  }
0x135: {  	p0 =	sne.s32 s0, $0x0;
	s0 =	rddreg [dreg:$0x5]  }
0x136: {  	s0 =	sadd.s32 @!p0 $0x100000, s0  }
0x137: {  	[sflag:s0] =	ssyncadd.tile.s32 @!p0 $0x1;
	_ =	shalt  }
.Lfunc_end2:
_tile_overlayer_lowered:
.L_overlay_start_2:
0x138: {  	(tag) =	ssettag $0x2  }
0x139: {  	s0 =	rddreg [dreg:$0x0];
	s2 =	stileid.u32  }
0x13a: {  	s1 =	rddreg [dreg:$0x1];
	p0 =	sne.s32 s2, $0x0  }
0x13b: {  	s3 =	rddreg [dreg:$0x2];
	[bflag:$0x3] =	sbarrier.arrive $0xFFFF;
	s2 =	simm.s32 @!p0 $0x1C03  }
0x13c: {  	[timem:s3], [sflag:s2] =	dma.local @!p0 [hbm:s0], s1  }
0x13d: {  	s0 =	simm.s32 @!p0 $0x3  }
0x13e: {  	_ =	swait.ge @!p0 [sflag:s0], s1  }
0x13f: {  	s1 =	ssub.s32 @!p0 $0x0, s1;
	[sflag:s0] =	ssyncset.done @!p0 $0x0  }
0x140: {  	[sflag:s0] =	ssyncadd.s32 @!p0 s1  }
0x141: {  	[bflag:$0x3] =	sbarrier.arrive $0xFFFF  }
0x142: {  	_ =	shalt  }

</sc_bundles>
